<compile_context>
chip_gen: v7x
topology: tpu7x:2x2x1
jax: 0.10.2.dev20260603
libtpu: 0.0.44.dev20260713+nightly
codegen_flags: <defaults>
</compile_context>

<pallas_src>
import functools

import jax
import jax.numpy as jnp
from jax import lax
from jax.experimental import pallas as pl
from jax.experimental.pallas import tpu as pltpu
from jax.experimental.pallas import tpu_sc as plsc

N, P, C = 32, 8732, 81
PPAD = 8736
NV = PPAD // 16
L4 = P * 4
L4PAD = NV * 64

_CH = 2048


def _tc_body(conf_ref, lab_ref, ploc_ref, gloc_ref,
             negp_ref, nll_ref, stats_ref):
    num_pos = jnp.float32(0.0)
    pos_nll = jnp.float32(0.0)
    pos_hub = jnp.float32(0.0)
    eye_c = jnp.eye(C, dtype=jnp.float32)
    eye_4 = jnp.eye(4, dtype=jnp.float32)
    dn = (((1,), (1,)), ((), ()))
    for j in range(0, P, _CH):
        h = min(_CH, P - j)
        c_raw = conf_ref[0, pl.ds(j, h), :]
        ct = lax.dot_general(eye_c, c_raw, dn,
                             preferred_element_type=jnp.float32)
        lab = lab_ref[0, :, pl.ds(j, h)]
        et = jnp.exp(ct)
        srow = jnp.sum(et, axis=0, keepdims=True)
        sub_iota = lax.broadcasted_iota(jnp.int32, (C, h), 0)
        msel = jnp.where(sub_iota == lab, ct, 0.0)
        clrow = jnp.sum(msel, axis=0, keepdims=True)
        lse = jnp.log(srow)
        nll = lse - clrow
        pos = lab > 0
        negp = jnp.where(pos, -1.0, lse - ct[0:1, :])
        negp_ref[0, :, pl.ds(j, h)] = negp
        nll_ref[0, :, pl.ds(j, h)] = nll

        pt = lax.dot_general(eye_4, ploc_ref[0, pl.ds(j, h), :], dn,
                             preferred_element_type=jnp.float32)
        gt = lax.dot_general(eye_4, gloc_ref[0, pl.ds(j, h), :], dn,
                             preferred_element_type=jnp.float32)
        d = pt - gt
        ad = jnp.abs(d)
        hub = jnp.where(ad < 1.0, 0.5 * d * d, ad - 0.5)
        hrow = jnp.sum(hub, axis=0, keepdims=True)
        posf = jnp.where(pos, 1.0, 0.0)
        num_pos += jnp.sum(posf)
        pos_nll += jnp.sum(nll * posf)
        pos_hub += jnp.sum(hrow * posf)

    negp_ref[0, :, pl.ds(P, PPAD - P)] = jnp.full((1, PPAD - P), -1.0, jnp.float32)
    nll_ref[0, :, pl.ds(P, PPAD - P)] = jnp.zeros((1, PPAD - P), jnp.float32)
    lane8 = lax.broadcasted_iota(jnp.int32, (1, 8), 1)
    stats_ref[0] = jnp.where(lane8 == 0, num_pos,
                   jnp.where(lane8 == 1, pos_nll,
                   jnp.where(lane8 == 2, pos_hub, 0.0)))


def _tc_stage(conf_t, lab3, ploc_t, gloc_t):
    return pl.pallas_call(
        _tc_body,
        grid=(N,),
        in_specs=[
            pl.BlockSpec((1, P, C), lambda i: (i, 0, 0)),
            pl.BlockSpec((1, 1, P), lambda i: (i, 0, 0)),
            pl.BlockSpec((1, P, 4), lambda i: (i, 0, 0)),
            pl.BlockSpec((1, P, 4), lambda i: (i, 0, 0)),
        ],
        out_specs=[
            pl.BlockSpec((1, 1, PPAD), lambda i: (i, 0, 0)),
            pl.BlockSpec((1, 1, PPAD), lambda i: (i, 0, 0)),
            pl.BlockSpec((1, 1, 8), lambda i: (i, 0, 0)),
        ],
        out_shape=[
            jax.ShapeDtypeStruct((N, 1, PPAD), jnp.float32),
            jax.ShapeDtypeStruct((N, 1, PPAD), jnp.float32),
            jax.ShapeDtypeStruct((N, 1, 8), jnp.float32),
        ],
    )(conf_t, lab3, ploc_t, gloc_t)


def _sc_mine_body(negp_hbm, nll_hbm, npos_hbm, out_hbm,
                  negp_v, nll_v, npos_v, out_v):
    wid = lax.axis_index("s") * 2 + lax.axis_index("c")
    iota = lax.broadcasted_iota(jnp.int32, (16,), 0)

    def vtot(x):
        for k in (1, 2, 4, 8):
            x = x + x[iota ^ k]
        return x[0]

    pltpu.sync_copy(negp_hbm.at[pl.ds(wid * PPAD, PPAD)], negp_v)
    pltpu.sync_copy(nll_hbm.at[pl.ds(wid * PPAD, PPAD)], nll_v)
    base16 = jnp.where(wid >= 16, 16, 0)
    pltpu.sync_copy(npos_hbm.at[pl.ds(base16, 16)], npos_v)
    lane = wid - base16
    npos = vtot(jnp.where(iota == lane, npos_v[...], 0.0))

    def pass1(i, carry):
        cnt, sneg = carry
        x = negp_v[pl.ds(i * 16, 16)]
        nl = nll_v[pl.ds(i * 16, 16)]
        isneg = x >= 0.0
        return (cnt + jnp.where(isneg, 1.0, 0.0),
                sneg + jnp.where(isneg, nl, 0.0))

    z16 = jnp.zeros((16,), jnp.float32)
    cnt_v, sneg_v = lax.fori_loop(0, NV, pass1, (z16, z16))
    negc = vtot(cnt_v)
    allneg_nll = vtot(sneg_v)
    kneg = jnp.minimum(3.0 * npos, negc)

    def cnt_ge(tf):
        def body(i, acc):
            x = negp_v[pl.ds(i * 16, 16)]
            return acc + jnp.where(x >= tf, 1.0, 0.0)
        return vtot(lax.fori_loop(0, NV, body, z16))

    def slow():
        def bs(i, lohi):
            lo, hi = lohi
            d = hi - lo
            mid = lo + d // 2 + (d & 1)
            midf = lax.bitcast_convert_type(mid, jnp.float32)
            ok = cnt_ge(midf) >= kneg
            return (jnp.where(ok, mid, lo), jnp.where(ok, hi, mid - 1))

        tstar, _ = lax.fori_loop(
            0, 31, bs, (jnp.int32(0), jnp.int32(2**31 - 1)))
        tstarf = lax.bitcast_convert_type(tstar, jnp.float32)
        tnextf = lax.bitcast_convert_type(tstar + 1, jnp.float32)
        r = kneg - cnt_ge(tnextf)

        def cnt_tie(m):
            def body(i, acc):
                x = negp_v[pl.ds(i * 16, 16)]
                tie = (x == tstarf) & (i * 16 + iota <= m)
                return acc + jnp.where(tie, 1.0, 0.0)
            return vtot(lax.fori_loop(0, NV, body, z16))

        def bs2(i, lohi):
            lo, hi = lohi
            mid = (lo + hi) // 2
            ok = cnt_tie(mid) >= r
            return (jnp.where(ok, lo, mid + 1), jnp.where(ok, mid, hi))

        mstar, _ = lax.fori_loop(
            0, 14, bs2, (jnp.int32(0), jnp.int32(PPAD - 1)))

        def sum_sel(i, acc):
            x = negp_v[pl.ds(i * 16, 16)]
            sel = (x > tstarf) | ((x == tstarf) & (i * 16 + iota <= mstar))
            return acc + jnp.where(sel, nll_v[pl.ds(i * 16, 16)], 0.0)

        return vtot(lax.fori_loop(0, NV, sum_sel, z16))

    sel_nll = lax.cond(
        kneg >= negc,
        lambda: allneg_nll,
        lambda: lax.cond(kneg == 0.0, lambda: jnp.float32(0.0), slow))

    row = jnp.where(iota == 0, sel_nll, jnp.where(iota == 1, kneg, 0.0))
    out_v[...] = row
    pltpu.sync_copy(out_v, out_hbm.at[pl.ds(wid * 16, 16)])


@functools.lru_cache(maxsize=1)
def _get_sc_mine():
    return pl.kernel(
        _sc_mine_body,
        out_type=jax.ShapeDtypeStruct((N * 16,), jnp.float32),
        mesh=plsc.VectorSubcoreMesh(core_axis_name="c", subcore_axis_name="s"),
        scratch_types=[
            pltpu.VMEM((PPAD,), jnp.float32),
            pltpu.VMEM((PPAD,), jnp.float32),
            pltpu.VMEM((16,), jnp.float32),
            pltpu.VMEM((16,), jnp.float32),
        ],
    )


def kernel(confidence, pred_loc, gt_class_labels, gt_bbox_loc):
    lab3 = gt_class_labels.astype(jnp.int32).reshape(N, 1, P)
    negp3, nll3, stats3 = _tc_stage(confidence, lab3, pred_loc, gt_bbox_loc)
    stats = stats3.reshape(N, 8)
    num_pos, pos_nll, pos_hub = stats[:, 0], stats[:, 1], stats[:, 2]

    mined = _get_sc_mine()(negp3.reshape(N * PPAD), nll3.reshape(N * PPAD),
                           num_pos).reshape(N, 16)
    sel_nll = jnp.sum(mined[:, 0])
    kneg = jnp.sum(mined[:, 1])
    npos = jnp.sum(num_pos)

    conf_loss = (jnp.sum(pos_nll) + sel_nll) / (npos + kneg)
    loc_loss = jnp.sum(pos_hub) / (npos * 4.0)
    return (conf_loss, loc_loss)

# --- scband reference (transcript-rebuilt; emitter-appended) ---
"""Pipeline reference for scband-multibox-loss-22076131902147 (READ-ONLY COPY).

The authoritative reference and input builder live on the scoring server;
editing this copy changes nothing except your own understanding.
"""

import jax, jax.numpy as jnp
import numpy as np

NEG_POS_RATIO = 3.0
NEG_LABEL_IDX = 0


def setup_inputs(seed: int = 0) -> dict:
    key = jax.random.key(seed)
    k1, k2, k3, k4 = jax.random.split(key, 4)
    N, P, C = 32, 8732, 81
    confidence = jax.random.normal(k1, (N, P, C), dtype=jnp.float32)
    pred_loc = jax.random.normal(k2, (N, P, 4), dtype=jnp.float32)
    gt_class_labels = jax.random.randint(k3, (N, P), 0, C)
    gt_bbox_loc = jax.random.normal(k4, (N, P, 4), dtype=jnp.float32)
    return {
        'confidence': confidence,
        'pred_loc': pred_loc,
        'gt_class_labels': gt_class_labels,
        'gt_bbox_loc': gt_bbox_loc,
    }


def _hard_negative_mining(predicted_prob, gt_label, neg_pos_ratio=NEG_POS_RATIO):
    pos_flag = gt_label > 0
    p = jnp.where(pos_flag, -1.0, predicted_prob)
    # sort descending, then rank of each element
    indices = jnp.argsort(-p, axis=1)
    orders = jnp.argsort(indices, axis=1)
    num_pos = jnp.sum(pos_flag, axis=1, keepdims=True)
    num_neg = neg_pos_ratio * num_pos
    neg_flag = orders < num_neg
    return pos_flag, neg_flag


def reference(confidence, pred_loc, gt_class_labels, gt_bbox_loc):
    # log-softmax over classes
    logp = jax.nn.log_softmax(confidence, axis=2)
    # mining is done under no_grad in the original -> stop_gradient
    neg_class_prob = -jax.lax.stop_gradient(logp)[:, :, NEG_LABEL_IDX]
    pos_flag, neg_flag = _hard_negative_mining(neg_class_prob, gt_class_labels, NEG_POS_RATIO)
    sel_flag = pos_flag | neg_flag

    # classification loss: cross-entropy averaged over selected priors
    nll = -jnp.take_along_axis(logp, gt_class_labels[..., None], axis=2)[..., 0]
    sel = sel_flag.astype(jnp.float32)
    conf_loss = jnp.sum(nll * sel) / jnp.sum(sel)

    # localization loss: smooth L1 (beta=1) averaged over positive boxes x 4 coords
    diff = pred_loc - gt_bbox_loc
    ad = jnp.abs(diff)
    huber = jnp.where(ad < 1.0, 0.5 * diff * diff, ad - 0.5)
    posf = pos_flag.astype(jnp.float32)[..., None]
    loc_huber_loss = jnp.sum(huber * posf) / (jnp.sum(posf) * 4.0)

    return (conf_loss, loc_huber_loss)

if __name__ == "__main__":
    import jax
    _d = setup_inputs()
    print(jax.jit(kernel)(*tuple(_d.values())))

</pallas_src>

<mosaic_0001>
#map = affine_map<(d0, d1) -> (0)>
module attributes {stable_mosaic.version = 14 : i64} {
  func.func @_sc_mine_body(%arg0: i32, %arg1: i32, %arg2: memref<279552xf32, #tpu.memory_space<hbm>>, %arg3: memref<279552xf32, #tpu.memory_space<hbm>>, %arg4: memref<32xf32, #tpu.memory_space<hbm>>, %arg5: memref<512xf32, #tpu.memory_space<hbm>>, %arg6: memref<8736xf32, #tpu.memory_space<vmem>>, %arg7: memref<8736xf32, #tpu.memory_space<vmem>>, %arg8: memref<16xf32, #tpu.memory_space<vmem>>, %arg9: memref<16xf32, #tpu.memory_space<vmem>>) attributes {dimension_semantics = [#tpu.dimension_semantics<core_parallel>, #tpu.dimension_semantics<subcore_parallel>], iteration_bounds = array<i64: 2, 16>, scalar_prefetch = 0 : i64, scratch_operands = 4 : i64, tpu.core_type = #tpu.core_type<sc_vector_subcore>, window_params = [{transform_indices = #map}, {transform_indices = #map}, {transform_indices = #map}, {transform_indices = #map}]} {
    %mul3A = arith.constant 2 : i32
    %mul3A_0 = arith.muli %arg1, %mul3A : i32
    %add3A = arith.addi %mul3A_0, %arg0 : i32
    %iota3A = tpu.iota {dimensions = array<i32: 0>} : vector<16xi32>
    %mul3A_1 = arith.constant 8736 : i32
    %mul3A_2 = arith.muli %add3A, %mul3A_1 : i32
    "tpu.region"() ({
      %run_scoped3A = tpu.sem_alloc : memref<!tpu.dma_semaphore, #tpu.memory_space<semaphore_mem>>
      %dma_start3A = tpu.memref_slice %arg2[%mul3A_2] : memref<279552xf32, #tpu.memory_space<hbm>> -> memref<8736xf32, #tpu.memory_space<hbm>>
      %dma_start3A_210 = tpu.memref_slice %arg2[%mul3A_2] : memref<279552xf32, #tpu.memory_space<hbm>> -> memref<8736xf32, #tpu.memory_space<hbm>>
      tpu.enqueue_dma source(%dma_start3A_210 : memref<8736xf32, #tpu.memory_space<hbm>>) target(%arg6 : memref<8736xf32, #tpu.memory_space<vmem>>) target_semaphore(%run_scoped3A : memref<!tpu.dma_semaphore, #tpu.memory_space<semaphore_mem>>)
      %dma_wait3A = tpu.memref_slice %arg2[%mul3A_2] : memref<279552xf32, #tpu.memory_space<hbm>> -> memref<8736xf32, #tpu.memory_space<hbm>>
      %dma_wait3A_211 = tpu.memref_slice %arg2[%mul3A_2] : memref<279552xf32, #tpu.memory_space<hbm>> -> memref<8736xf32, #tpu.memory_space<hbm>>
      tpu.wait_dma2 semaphore(%run_scoped3A : memref<!tpu.dma_semaphore, #tpu.memory_space<semaphore_mem>>) src(%dma_wait3A_211 : memref<8736xf32, #tpu.memory_space<hbm>>) dst(%arg6 : memref<8736xf32, #tpu.memory_space<vmem>>)
      tpu.yield
    }) : () -> ()
    %mul3A_3 = arith.constant 8736 : i32
    %mul3A_4 = arith.muli %add3A, %mul3A_3 : i32
    "tpu.region"() ({
      %run_scoped3A = tpu.sem_alloc : memref<!tpu.dma_semaphore, #tpu.memory_space<semaphore_mem>>
      %dma_start3A = tpu.memref_slice %arg3[%mul3A_4] : memref<279552xf32, #tpu.memory_space<hbm>> -> memref<8736xf32, #tpu.memory_space<hbm>>
      %dma_start3A_210 = tpu.memref_slice %arg3[%mul3A_4] : memref<279552xf32, #tpu.memory_space<hbm>> -> memref<8736xf32, #tpu.memory_space<hbm>>
      tpu.enqueue_dma source(%dma_start3A_210 : memref<8736xf32, #tpu.memory_space<hbm>>) target(%arg7 : memref<8736xf32, #tpu.memory_space<vmem>>) target_semaphore(%run_scoped3A : memref<!tpu.dma_semaphore, #tpu.memory_space<semaphore_mem>>)
      %dma_wait3A = tpu.memref_slice %arg3[%mul3A_4] : memref<279552xf32, #tpu.memory_space<hbm>> -> memref<8736xf32, #tpu.memory_space<hbm>>
      %dma_wait3A_211 = tpu.memref_slice %arg3[%mul3A_4] : memref<279552xf32, #tpu.memory_space<hbm>> -> memref<8736xf32, #tpu.memory_space<hbm>>
      tpu.wait_dma2 semaphore(%run_scoped3A : memref<!tpu.dma_semaphore, #tpu.memory_space<semaphore_mem>>) src(%dma_wait3A_211 : memref<8736xf32, #tpu.memory_space<hbm>>) dst(%arg7 : memref<8736xf32, #tpu.memory_space<vmem>>)
      tpu.yield
    }) : () -> ()
    %ge3A = arith.constant 16 : i32
    %ge3A_5 = arith.cmpi sge, %add3A, %ge3A : i32
    %jit3A = arith.constant 16 : i32
    %jit3A_6 = arith.constant 0 : i32
    %select_n3A = arith.select %ge3A_5, %jit3A, %jit3A_6 : i32
    "tpu.region"() ({
      %run_scoped3A = tpu.sem_alloc : memref<!tpu.dma_semaphore, #tpu.memory_space<semaphore_mem>>
      %dma_start3A = tpu.memref_slice %arg4[%select_n3A] : memref<32xf32, #tpu.memory_space<hbm>> -> memref<16xf32, #tpu.memory_space<hbm>>
      %dma_start3A_210 = tpu.memref_slice %arg4[%select_n3A] : memref<32xf32, #tpu.memory_space<hbm>> -> memref<16xf32, #tpu.memory_space<hbm>>
      tpu.enqueue_dma source(%dma_start3A_210 : memref<16xf32, #tpu.memory_space<hbm>>) target(%arg8 : memref<16xf32, #tpu.memory_space<vmem>>) target_semaphore(%run_scoped3A : memref<!tpu.dma_semaphore, #tpu.memory_space<semaphore_mem>>)
      %dma_wait3A = tpu.memref_slice %arg4[%select_n3A] : memref<32xf32, #tpu.memory_space<hbm>> -> memref<16xf32, #tpu.memory_space<hbm>>
      %dma_wait3A_211 = tpu.memref_slice %arg4[%select_n3A] : memref<32xf32, #tpu.memory_space<hbm>> -> memref<16xf32, #tpu.memory_space<hbm>>
      tpu.wait_dma2 semaphore(%run_scoped3A : memref<!tpu.dma_semaphore, #tpu.memory_space<semaphore_mem>>) src(%dma_wait3A_211 : memref<16xf32, #tpu.memory_space<hbm>>) dst(%arg8 : memref<16xf32, #tpu.memory_space<vmem>>)
      tpu.yield
    }) : () -> ()
    %sub3A = arith.subi %add3A, %select_n3A : i32
    %eq3A = vector.broadcast %sub3A : i32 to vector<16xi32>
    %eq3A_7 = arith.cmpi eq, %iota3A, %eq3A : vector<16xi32>
    %get3A = arith.constant 0 : index
    %get3A_8 = tpu.vector_load %arg8[%get3A] {strides = array<i32>} : memref<16xf32, #tpu.memory_space<vmem>>, vector<16xf32>,
    %get3A_9 = vector.shape_cast %get3A_8 : vector<16xf32> to vector<16xf32>
    %jit3A_10 = arith.constant 0.000000e+00 : f32
    %broadcast_in_dim3A = vector.broadcast %jit3A_10 : f32 to vector<16xf32>
    %select_n3A_11 = arith.select %eq3A_7, %get3A_9, %broadcast_in_dim3A : vector<16xi1>, vector<16xf32>
    %xor3A = arith.constant 1 : i32
    %xor3A_12 = vector.broadcast %xor3A : i32 to vector<16xi32>
    %xor3A_13 = arith.xori %iota3A, %xor3A_12 : vector<16xi32>
    %lt3A = arith.constant 0 : i32
    %lt3A_14 = vector.broadcast %lt3A : i32 to vector<16xi32>
    %lt3A_15 = arith.cmpi slt, %xor3A_13, %lt3A_14 : vector<16xi32>
    %add3A_16 = arith.constant 16 : i32
    %add3A_17 = vector.broadcast %add3A_16 : i32 to vector<16xi32>
    %add3A_18 = arith.addi %xor3A_13, %add3A_17 : vector<16xi32>
    %select_n3A_19 = arith.select %lt3A_15, %add3A_18, %xor3A_13 : vector<16xi1>, vector<16xi32>
    %broadcast_in_dim3A_20 = vector.shape_cast %select_n3A_19 : vector<16xi32> to vector<16x1xi32>
    %gather3A = vector.shape_cast %broadcast_in_dim3A_20 : vector<16x1xi32> to vector<16xi32>
    %gather3A_21 = tpu.dynamic_gather %select_n3A_11[%gather3A] in [0] : vector<16xf32>, vector<16xi32> -> vector<16xf32>
    %add3A_22 = arith.addf %select_n3A_11, %gather3A_21 : vector<16xf32>
    %xor3A_23 = arith.constant 2 : i32
    %xor3A_24 = vector.broadcast %xor3A_23 : i32 to vector<16xi32>
    %xor3A_25 = arith.xori %iota3A, %xor3A_24 : vector<16xi32>
    %lt3A_26 = arith.constant 0 : i32
    %lt3A_27 = vector.broadcast %lt3A_26 : i32 to vector<16xi32>
    %lt3A_28 = arith.cmpi slt, %xor3A_25, %lt3A_27 : vector<16xi32>
    %add3A_29 = arith.constant 16 : i32
    %add3A_30 = vector.broadcast %add3A_29 : i32 to vector<16xi32>
    %add3A_31 = arith.addi %xor3A_25, %add3A_30 : vector<16xi32>
    %select_n3A_32 = arith.select %lt3A_28, %add3A_31, %xor3A_25 : vector<16xi1>, vector<16xi32>
    %broadcast_in_dim3A_33 = vector.shape_cast %select_n3A_32 : vector<16xi32> to vector<16x1xi32>
    %gather3A_34 = vector.shape_cast %broadcast_in_dim3A_33 : vector<16x1xi32> to vector<16xi32>
    %gather3A_35 = tpu.dynamic_gather %add3A_22[%gather3A_34] in [0] : vector<16xf32>, vector<16xi32> -> vector<16xf32>
    %add3A_36 = arith.addf %add3A_22, %gather3A_35 : vector<16xf32>
    %xor3A_37 = arith.constant 4 : i32
    %xor3A_38 = vector.broadcast %xor3A_37 : i32 to vector<16xi32>
    %xor3A_39 = arith.xori %iota3A, %xor3A_38 : vector<16xi32>
    %lt3A_40 = arith.constant 0 : i32
    %lt3A_41 = vector.broadcast %lt3A_40 : i32 to vector<16xi32>
    %lt3A_42 = arith.cmpi slt, %xor3A_39, %lt3A_41 : vector<16xi32>
    %add3A_43 = arith.constant 16 : i32
    %add3A_44 = vector.broadcast %add3A_43 : i32 to vector<16xi32>
    %add3A_45 = arith.addi %xor3A_39, %add3A_44 : vector<16xi32>
    %select_n3A_46 = arith.select %lt3A_42, %add3A_45, %xor3A_39 : vector<16xi1>, vector<16xi32>
    %broadcast_in_dim3A_47 = vector.shape_cast %select_n3A_46 : vector<16xi32> to vector<16x1xi32>
    %gather3A_48 = vector.shape_cast %broadcast_in_dim3A_47 : vector<16x1xi32> to vector<16xi32>
    %gather3A_49 = tpu.dynamic_gather %add3A_36[%gather3A_48] in [0] : vector<16xf32>, vector<16xi32> -> vector<16xf32>
    %add3A_50 = arith.addf %add3A_36, %gather3A_49 : vector<16xf32>
    %xor3A_51 = arith.constant 8 : i32
    %xor3A_52 = vector.broadcast %xor3A_51 : i32 to vector<16xi32>
    %xor3A_53 = arith.xori %iota3A, %xor3A_52 : vector<16xi32>
    %lt3A_54 = arith.constant 0 : i32
    %lt3A_55 = vector.broadcast %lt3A_54 : i32 to vector<16xi32>
    %lt3A_56 = arith.cmpi slt, %xor3A_53, %lt3A_55 : vector<16xi32>
    %add3A_57 = arith.constant 16 : i32
    %add3A_58 = vector.broadcast %add3A_57 : i32 to vector<16xi32>
    %add3A_59 = arith.addi %xor3A_53, %add3A_58 : vector<16xi32>
    %select_n3A_60 = arith.select %lt3A_56, %add3A_59, %xor3A_53 : vector<16xi1>, vector<16xi32>
    %broadcast_in_dim3A_61 = vector.shape_cast %select_n3A_60 : vector<16xi32> to vector<16x1xi32>
    %gather3A_62 = vector.shape_cast %broadcast_in_dim3A_61 : vector<16x1xi32> to vector<16xi32>
    %gather3A_63 = tpu.dynamic_gather %add3A_50[%gather3A_62] in [0] : vector<16xf32>, vector<16xi32> -> vector<16xf32>
    %add3A_64 = arith.addf %add3A_50, %gather3A_63 : vector<16xf32>
    %slice3A = vector.extract_strided_slice %add3A_64 {offsets = [0], sizes = [1], strides = [1]} : vector<16xf32> to vector<1xf32>
    %squeeze3A = vector.extract %slice3A[0] : f32 from vector<1xf32>
    %broadcast_in_dim3A_65 = arith.constant 0.000000e+00 : f32
    %broadcast_in_dim3A_66 = vector.broadcast %broadcast_in_dim3A_65 : f32 to vector<16xf32>
    %scan3A = arith.constant 0 : i32
    %scan3A_67 = arith.constant 546 : i32
    %scan3A_68 = arith.addi %scan3A, %scan3A_67 : i32
    %scan3A_69 = arith.constant 1 : i32
    %scan3A_70:2 = scf.for %scan3A_210 = %scan3A to %scan3A_68 step %scan3A_69 iter_args(%scan3A_211 = %broadcast_in_dim3A_66, %scan3A_212 = %broadcast_in_dim3A_66) -> (vector<16xf32>, vector<16xf32>)  : i32 {
      %mul3A_213 = arith.constant 16 : i32
      %mul3A_214 = arith.muli %scan3A_210, %mul3A_213 : i32
      %get3A_215 = arith.index_cast %mul3A_214 : i32 to index
      %get3A_216 = tpu.vector_load %arg6[%get3A_215] {strides = array<i32>} : memref<8736xf32, #tpu.memory_space<vmem>>, vector<16xf32>,
      %get3A_217 = vector.shape_cast %get3A_216 : vector<16xf32> to vector<16xf32>
      %mul3A_218 = arith.constant 16 : i32
      %mul3A_219 = arith.muli %scan3A_210, %mul3A_218 : i32
      %get3A_220 = arith.index_cast %mul3A_219 : i32 to index
      %get3A_221 = tpu.vector_load %arg7[%get3A_220] {strides = array<i32>} : memref<8736xf32, #tpu.memory_space<vmem>>, vector<16xf32>,
      %get3A_222 = vector.shape_cast %get3A_221 : vector<16xf32> to vector<16xf32>
      %ge3A_223 = arith.constant 0.000000e+00 : f32
      %ge3A_224 = vector.broadcast %ge3A_223 : f32 to vector<16xf32>
      %ge3A_225 = arith.cmpf oge, %get3A_217, %ge3A_224 : vector<16xf32>
      %jit3A_226 = arith.constant 1.000000e+00 : f32
      %jit3A_227 = arith.constant 0.000000e+00 : f32
      %broadcast_in_dim3A_228 = vector.broadcast %jit3A_226 : f32 to vector<16xf32>
      %broadcast_in_dim3A_229 = vector.broadcast %jit3A_227 : f32 to vector<16xf32>
      %select_n3A_230 = arith.select %ge3A_225, %broadcast_in_dim3A_228, %broadcast_in_dim3A_229 : vector<16xi1>, vector<16xf32>
      %add3A_231 = arith.addf %scan3A_211, %select_n3A_230 : vector<16xf32>
      %jit3A_232 = arith.constant 0.000000e+00 : f32
      %broadcast_in_dim3A_233 = vector.broadcast %jit3A_232 : f32 to vector<16xf32>
      %select_n3A_234 = arith.select %ge3A_225, %get3A_222, %broadcast_in_dim3A_233 : vector<16xi1>, vector<16xf32>
      %add3A_235 = arith.addf %scan3A_212, %select_n3A_234 : vector<16xf32>
      scf.yield %add3A_231, %add3A_235 : vector<16xf32>, vector<16xf32>
    }
    %scan3A_71 = arith.constant 546 : i32
    %xor3A_72 = arith.constant 1 : i32
    %xor3A_73 = vector.broadcast %xor3A_72 : i32 to vector<16xi32>
    %xor3A_74 = arith.xori %iota3A, %xor3A_73 : vector<16xi32>
    %lt3A_75 = arith.constant 0 : i32
    %lt3A_76 = vector.broadcast %lt3A_75 : i32 to vector<16xi32>
    %lt3A_77 = arith.cmpi slt, %xor3A_74, %lt3A_76 : vector<16xi32>
    %add3A_78 = arith.constant 16 : i32
    %add3A_79 = vector.broadcast %add3A_78 : i32 to vector<16xi32>
    %add3A_80 = arith.addi %xor3A_74, %add3A_79 : vector<16xi32>
    %select_n3A_81 = arith.select %lt3A_77, %add3A_80, %xor3A_74 : vector<16xi1>, vector<16xi32>
    %broadcast_in_dim3A_82 = vector.shape_cast %select_n3A_81 : vector<16xi32> to vector<16x1xi32>
    %gather3A_83 = vector.shape_cast %broadcast_in_dim3A_82 : vector<16x1xi32> to vector<16xi32>
    %gather3A_84 = tpu.dynamic_gather %scan3A_70#0[%gather3A_83] in [0] : vector<16xf32>, vector<16xi32> -> vector<16xf32>
    %add3A_85 = arith.addf %scan3A_70#0, %gather3A_84 : vector<16xf32>
    %xor3A_86 = arith.constant 2 : i32
    %xor3A_87 = vector.broadcast %xor3A_86 : i32 to vector<16xi32>
    %xor3A_88 = arith.xori %iota3A, %xor3A_87 : vector<16xi32>
    %lt3A_89 = arith.constant 0 : i32
    %lt3A_90 = vector.broadcast %lt3A_89 : i32 to vector<16xi32>
    %lt3A_91 = arith.cmpi slt, %xor3A_88, %lt3A_90 : vector<16xi32>
    %add3A_92 = arith.constant 16 : i32
    %add3A_93 = vector.broadcast %add3A_92 : i32 to vector<16xi32>
    %add3A_94 = arith.addi %xor3A_88, %add3A_93 : vector<16xi32>
    %select_n3A_95 = arith.select %lt3A_91, %add3A_94, %xor3A_88 : vector<16xi1>, vector<16xi32>
    %broadcast_in_dim3A_96 = vector.shape_cast %select_n3A_95 : vector<16xi32> to vector<16x1xi32>
    %gather3A_97 = vector.shape_cast %broadcast_in_dim3A_96 : vector<16x1xi32> to vector<16xi32>
    %gather3A_98 = tpu.dynamic_gather %add3A_85[%gather3A_97] in [0] : vector<16xf32>, vector<16xi32> -> vector<16xf32>
    %add3A_99 = arith.addf %add3A_85, %gather3A_98 : vector<16xf32>
    %xor3A_100 = arith.constant 4 : i32
    %xor3A_101 = vector.broadcast %xor3A_100 : i32 to vector<16xi32>
    %xor3A_102 = arith.xori %iota3A, %xor3A_101 : vector<16xi32>
    %lt3A_103 = arith.constant 0 : i32
    %lt3A_104 = vector.broadcast %lt3A_103 : i32 to vector<16xi32>
    %lt3A_105 = arith.cmpi slt, %xor3A_102, %lt3A_104 : vector<16xi32>
    %add3A_106 = arith.constant 16 : i32
    %add3A_107 = vector.broadcast %add3A_106 : i32 to vector<16xi32>
    %add3A_108 = arith.addi %xor3A_102, %add3A_107 : vector<16xi32>
    %select_n3A_109 = arith.select %lt3A_105, %add3A_108, %xor3A_102 : vector<16xi1>, vector<16xi32>
    %broadcast_in_dim3A_110 = vector.shape_cast %select_n3A_109 : vector<16xi32> to vector<16x1xi32>
    %gather3A_111 = vector.shape_cast %broadcast_in_dim3A_110 : vector<16x1xi32> to vector<16xi32>
    %gather3A_112 = tpu.dynamic_gather %add3A_99[%gather3A_111] in [0] : vector<16xf32>, vector<16xi32> -> vector<16xf32>
    %add3A_113 = arith.addf %add3A_99, %gather3A_112 : vector<16xf32>
    %xor3A_114 = arith.constant 8 : i32
    %xor3A_115 = vector.broadcast %xor3A_114 : i32 to vector<16xi32>
    %xor3A_116 = arith.xori %iota3A, %xor3A_115 : vector<16xi32>
    %lt3A_117 = arith.constant 0 : i32
    %lt3A_118 = vector.broadcast %lt3A_117 : i32 to vector<16xi32>
    %lt3A_119 = arith.cmpi slt, %xor3A_116, %lt3A_118 : vector<16xi32>
    %add3A_120 = arith.constant 16 : i32
    %add3A_121 = vector.broadcast %add3A_120 : i32 to vector<16xi32>
    %add3A_122 = arith.addi %xor3A_116, %add3A_121 : vector<16xi32>
    %select_n3A_123 = arith.select %lt3A_119, %add3A_122, %xor3A_116 : vector<16xi1>, vector<16xi32>
    %broadcast_in_dim3A_124 = vector.shape_cast %select_n3A_123 : vector<16xi32> to vector<16x1xi32>
    %gather3A_125 = vector.shape_cast %broadcast_in_dim3A_124 : vector<16x1xi32> to vector<16xi32>
    %gather3A_126 = tpu.dynamic_gather %add3A_113[%gather3A_125] in [0] : vector<16xf32>, vector<16xi32> -> vector<16xf32>
    %add3A_127 = arith.addf %add3A_113, %gather3A_126 : vector<16xf32>
    %slice3A_128 = vector.extract_strided_slice %add3A_127 {offsets = [0], sizes = [1], strides = [1]} : vector<16xf32> to vector<1xf32>
    %squeeze3A_129 = vector.extract %slice3A_128[0] : f32 from vector<1xf32>
    %xor3A_130 = arith.constant 1 : i32
    %xor3A_131 = vector.broadcast %xor3A_130 : i32 to vector<16xi32>
    %xor3A_132 = arith.xori %iota3A, %xor3A_131 : vector<16xi32>
    %lt3A_133 = arith.constant 0 : i32
    %lt3A_134 = vector.broadcast %lt3A_133 : i32 to vector<16xi32>
    %lt3A_135 = arith.cmpi slt, %xor3A_132, %lt3A_134 : vector<16xi32>
    %add3A_136 = arith.constant 16 : i32
    %add3A_137 = vector.broadcast %add3A_136 : i32 to vector<16xi32>
    %add3A_138 = arith.addi %xor3A_132, %add3A_137 : vector<16xi32>
    %select_n3A_139 = arith.select %lt3A_135, %add3A_138, %xor3A_132 : vector<16xi1>, vector<16xi32>
    %broadcast_in_dim3A_140 = vector.shape_cast %select_n3A_139 : vector<16xi32> to vector<16x1xi32>
    %gather3A_141 = vector.shape_cast %broadcast_in_dim3A_140 : vector<16x1xi32> to vector<16xi32>
    %gather3A_142 = tpu.dynamic_gather %scan3A_70#1[%gather3A_141] in [0] : vector<16xf32>, vector<16xi32> -> vector<16xf32>
    %add3A_143 = arith.addf %scan3A_70#1, %gather3A_142 : vector<16xf32>
    %xor3A_144 = arith.constant 2 : i32
    %xor3A_145 = vector.broadcast %xor3A_144 : i32 to vector<16xi32>
    %xor3A_146 = arith.xori %iota3A, %xor3A_145 : vector<16xi32>
    %lt3A_147 = arith.constant 0 : i32
    %lt3A_148 = vector.broadcast %lt3A_147 : i32 to vector<16xi32>
    %lt3A_149 = arith.cmpi slt, %xor3A_146, %lt3A_148 : vector<16xi32>
    %add3A_150 = arith.constant 16 : i32
    %add3A_151 = vector.broadcast %add3A_150 : i32 to vector<16xi32>
    %add3A_152 = arith.addi %xor3A_146, %add3A_151 : vector<16xi32>
    %select_n3A_153 = arith.select %lt3A_149, %add3A_152, %xor3A_146 : vector<16xi1>, vector<16xi32>
    %broadcast_in_dim3A_154 = vector.shape_cast %select_n3A_153 : vector<16xi32> to vector<16x1xi32>
    %gather3A_155 = vector.shape_cast %broadcast_in_dim3A_154 : vector<16x1xi32> to vector<16xi32>
    %gather3A_156 = tpu.dynamic_gather %add3A_143[%gather3A_155] in [0] : vector<16xf32>, vector<16xi32> -> vector<16xf32>
    %add3A_157 = arith.addf %add3A_143, %gather3A_156 : vector<16xf32>
    %xor3A_158 = arith.constant 4 : i32
    %xor3A_159 = vector.broadcast %xor3A_158 : i32 to vector<16xi32>
    %xor3A_160 = arith.xori %iota3A, %xor3A_159 : vector<16xi32>
    %lt3A_161 = arith.constant 0 : i32
    %lt3A_162 = vector.broadcast %lt3A_161 : i32 to vector<16xi32>
    %lt3A_163 = arith.cmpi slt, %xor3A_160, %lt3A_162 : vector<16xi32>
    %add3A_164 = arith.constant 16 : i32
    %add3A_165 = vector.broadcast %add3A_164 : i32 to vector<16xi32>
    %add3A_166 = arith.addi %xor3A_160, %add3A_165 : vector<16xi32>
    %select_n3A_167 = arith.select %lt3A_163, %add3A_166, %xor3A_160 : vector<16xi1>, vector<16xi32>
    %broadcast_in_dim3A_168 = vector.shape_cast %select_n3A_167 : vector<16xi32> to vector<16x1xi32>
    %gather3A_169 = vector.shape_cast %broadcast_in_dim3A_168 : vector<16x1xi32> to vector<16xi32>
    %gather3A_170 = tpu.dynamic_gather %add3A_157[%gather3A_169] in [0] : vector<16xf32>, vector<16xi32> -> vector<16xf32>
    %add3A_171 = arith.addf %add3A_157, %gather3A_170 : vector<16xf32>
    %xor3A_172 = arith.constant 8 : i32
    %xor3A_173 = vector.broadcast %xor3A_172 : i32 to vector<16xi32>
    %xor3A_174 = arith.xori %iota3A, %xor3A_173 : vector<16xi32>
    %lt3A_175 = arith.constant 0 : i32
    %lt3A_176 = vector.broadcast %lt3A_175 : i32 to vector<16xi32>
    %lt3A_177 = arith.cmpi slt, %xor3A_174, %lt3A_176 : vector<16xi32>
    %add3A_178 = arith.constant 16 : i32
    %add3A_179 = vector.broadcast %add3A_178 : i32 to vector<16xi32>
    %add3A_180 = arith.addi %xor3A_174, %add3A_179 : vector<16xi32>
    %select_n3A_181 = arith.select %lt3A_177, %add3A_180, %xor3A_174 : vector<16xi1>, vector<16xi32>
    %broadcast_in_dim3A_182 = vector.shape_cast %select_n3A_181 : vector<16xi32> to vector<16x1xi32>
    %gather3A_183 = vector.shape_cast %broadcast_in_dim3A_182 : vector<16x1xi32> to vector<16xi32>
    %gather3A_184 = tpu.dynamic_gather %add3A_171[%gather3A_183] in [0] : vector<16xf32>, vector<16xi32> -> vector<16xf32>
    %add3A_185 = arith.addf %add3A_171, %gather3A_184 : vector<16xf32>
    %slice3A_186 = vector.extract_strided_slice %add3A_185 {offsets = [0], sizes = [1], strides = [1]} : vector<16xf32> to vector<1xf32>
    %squeeze3A_187 = vector.extract %slice3A_186[0] : f32 from vector<1xf32>
    %mul3A_188 = arith.constant 3.000000e+00 : f32
    %mul3A_189 = arith.mulf %mul3A_188, %squeeze3A : f32
    %min3A = arith.minimumf %mul3A_189, %squeeze3A_129 : f32
    %ge3A_190 = arith.cmpf oge, %min3A, %squeeze3A_129 : f32
    %convert_element_type3A = arith.extui %ge3A_190 : i1 to i32
    %cond3A = arith.constant 0 : i32
    %cond3A_191 = arith.cmpi ne, %convert_element_type3A, %cond3A : i32
    %cond3A_192 = scf.if %cond3A_191 -> (f32) {
      scf.yield %squeeze3A_187 : f32
    } else {
      %eq3A_210 = arith.constant 0.000000e+00 : f32
      %eq3A_211 = arith.cmpf oeq, %min3A, %eq3A_210 : f32
      %convert_element_type3A_212 = arith.extui %eq3A_211 : i1 to i32
      %cond3A_213 = arith.constant 0 : i32
      %cond3A_214 = arith.cmpi ne, %convert_element_type3A_212, %cond3A_213 : i32
      %cond3A_215 = scf.if %cond3A_214 -> (f32) {
        %cond3A_216 = arith.constant 0.000000e+00 : f32
        scf.yield %cond3A_216 : f32
      } else {
        %scan3A_216 = arith.constant 0 : i32
        %scan3A_217 = arith.constant 2147483647 : i32
        %scan3A_218 = arith.constant 0 : i32
        %scan3A_219 = arith.constant 31 : i32
        %scan3A_220 = arith.addi %scan3A_218, %scan3A_219 : i32
        %scan3A_221 = arith.constant 1 : i32
        %scan3A_222:2 = scf.for %scan3A_364 = %scan3A_218 to %scan3A_220 step %scan3A_221 iter_args(%scan3A_365 = %scan3A_216, %scan3A_366 = %scan3A_217) -> (i32, i32)  : i32 {
          %sub3A_367 = arith.subi %scan3A_366, %scan3A_365 : i32
          %jit3A_368 = arith.constant 2 : i32
          %div3A = arith.divsi %sub3A_367, %jit3A_368 : i32
          %sign3A = arith.constant 0 : i32
          %sign3A_369 = arith.cmpi sgt, %sub3A_367, %sign3A : i32
          %sign3A_370 = arith.extui %sign3A_369 : i1 to i32
          %sign3A_371 = arith.constant 0 : i32
          %sign3A_372 = arith.cmpi slt, %sub3A_367, %sign3A_371 : i32
          %sign3A_373 = arith.extui %sign3A_372 : i1 to i32
          %sign3A_374 = arith.subi %sign3A_370, %sign3A_373 : i32
          %sign3A_375 = arith.constant 0 : i32
          %sign3A_376 = arith.cmpi sgt, %jit3A_368, %sign3A_375 : i32
          %sign3A_377 = arith.extui %sign3A_376 : i1 to i32
          %sign3A_378 = arith.constant 0 : i32
          %sign3A_379 = arith.cmpi slt, %jit3A_368, %sign3A_378 : i32
          %sign3A_380 = arith.extui %sign3A_379 : i1 to i32
          %sign3A_381 = arith.subi %sign3A_377, %sign3A_380 : i32
          %ne3A = arith.cmpi ne, %sign3A_374, %sign3A_381 : i32
          %rem3A = arith.remsi %sub3A_367, %jit3A_368 : i32
          %ne3A_382 = arith.constant 0 : i32
          %ne3A_383 = arith.cmpi ne, %rem3A, %ne3A_382 : i32
          %and3A = arith.andi %ne3A, %ne3A_383 : i1
          %sub3A_384 = arith.constant 1 : i32
          %sub3A_385 = arith.subi %div3A, %sub3A_384 : i32
          %select_n3A_386 = arith.select %and3A, %sub3A_385, %div3A : i32
          %add3A_387 = arith.addi %scan3A_365, %select_n3A_386 : i32
          %and3A_388 = arith.constant 1 : i32
          %and3A_389 = arith.andi %sub3A_367, %and3A_388 : i32
          %add3A_390 = arith.addi %add3A_387, %and3A_389 : i32
          %bitcast_convert_type3A_391 = arith.bitcast %add3A_390 : i32 to f32
          %scan3A_392 = arith.constant 0 : i32
          %scan3A_393 = arith.constant 546 : i32
          %scan3A_394 = arith.addi %scan3A_392, %scan3A_393 : i32
          %scan3A_395 = arith.constant 1 : i32
          %scan3A_396 = scf.for %scan3A_461 = %scan3A_392 to %scan3A_394 step %scan3A_395 iter_args(%scan3A_462 = %broadcast_in_dim3A_66) -> (vector<16xf32>)  : i32 {
            %mul3A_463 = arith.constant 16 : i32
            %mul3A_464 = arith.muli %scan3A_461, %mul3A_463 : i32
            %get3A_465 = arith.index_cast %mul3A_464 : i32 to index
            %get3A_466 = tpu.vector_load %arg6[%get3A_465] {strides = array<i32>} : memref<8736xf32, #tpu.memory_space<vmem>>, vector<16xf32>,
            %get3A_467 = vector.shape_cast %get3A_466 : vector<16xf32> to vector<16xf32>
            %ge3A_468 = vector.broadcast %bitcast_convert_type3A_391 : f32 to vector<16xf32>
            %ge3A_469 = arith.cmpf oge, %get3A_467, %ge3A_468 : vector<16xf32>
            %jit3A_470 = arith.constant 1.000000e+00 : f32
            %jit3A_471 = arith.constant 0.000000e+00 : f32
            %broadcast_in_dim3A_472 = vector.broadcast %jit3A_470 : f32 to vector<16xf32>
            %broadcast_in_dim3A_473 = vector.broadcast %jit3A_471 : f32 to vector<16xf32>
            %select_n3A_474 = arith.select %ge3A_469, %broadcast_in_dim3A_472, %broadcast_in_dim3A_473 : vector<16xi1>, vector<16xf32>
            %add3A_475 = arith.addf %scan3A_462, %select_n3A_474 : vector<16xf32>
            scf.yield %add3A_475 : vector<16xf32>
          }
          %scan3A_397 = arith.constant 546 : i32
          %xor3A_398 = arith.constant 1 : i32
          %xor3A_399 = vector.broadcast %xor3A_398 : i32 to vector<16xi32>
          %xor3A_400 = arith.xori %iota3A, %xor3A_399 : vector<16xi32>
          %lt3A_401 = arith.constant 0 : i32
          %lt3A_402 = vector.broadcast %lt3A_401 : i32 to vector<16xi32>
          %lt3A_403 = arith.cmpi slt, %xor3A_400, %lt3A_402 : vector<16xi32>
          %add3A_404 = arith.constant 16 : i32
          %add3A_405 = vector.broadcast %add3A_404 : i32 to vector<16xi32>
          %add3A_406 = arith.addi %xor3A_400, %add3A_405 : vector<16xi32>
          %select_n3A_407 = arith.select %lt3A_403, %add3A_406, %xor3A_400 : vector<16xi1>, vector<16xi32>
          %broadcast_in_dim3A_408 = vector.shape_cast %select_n3A_407 : vector<16xi32> to vector<16x1xi32>
          %gather3A_409 = vector.shape_cast %broadcast_in_dim3A_408 : vector<16x1xi32> to vector<16xi32>
          %gather3A_410 = tpu.dynamic_gather %scan3A_396[%gather3A_409] in [0] : vector<16xf32>, vector<16xi32> -> vector<16xf32>
          %add3A_411 = arith.addf %scan3A_396, %gather3A_410 : vector<16xf32>
          %xor3A_412 = arith.constant 2 : i32
          %xor3A_413 = vector.broadcast %xor3A_412 : i32 to vector<16xi32>
          %xor3A_414 = arith.xori %iota3A, %xor3A_413 : vector<16xi32>
          %lt3A_415 = arith.constant 0 : i32
          %lt3A_416 = vector.broadcast %lt3A_415 : i32 to vector<16xi32>
          %lt3A_417 = arith.cmpi slt, %xor3A_414, %lt3A_416 : vector<16xi32>
          %add3A_418 = arith.constant 16 : i32
          %add3A_419 = vector.broadcast %add3A_418 : i32 to vector<16xi32>
          %add3A_420 = arith.addi %xor3A_414, %add3A_419 : vector<16xi32>
          %select_n3A_421 = arith.select %lt3A_417, %add3A_420, %xor3A_414 : vector<16xi1>, vector<16xi32>
          %broadcast_in_dim3A_422 = vector.shape_cast %select_n3A_421 : vector<16xi32> to vector<16x1xi32>
          %gather3A_423 = vector.shape_cast %broadcast_in_dim3A_422 : vector<16x1xi32> to vector<16xi32>
          %gather3A_424 = tpu.dynamic_gather %add3A_411[%gather3A_423] in [0] : vector<16xf32>, vector<16xi32> -> vector<16xf32>
          %add3A_425 = arith.addf %add3A_411, %gather3A_424 : vector<16xf32>
          %xor3A_426 = arith.constant 4 : i32
          %xor3A_427 = vector.broadcast %xor3A_426 : i32 to vector<16xi32>
          %xor3A_428 = arith.xori %iota3A, %xor3A_427 : vector<16xi32>
          %lt3A_429 = arith.constant 0 : i32
          %lt3A_430 = vector.broadcast %lt3A_429 : i32 to vector<16xi32>
          %lt3A_431 = arith.cmpi slt, %xor3A_428, %lt3A_430 : vector<16xi32>
          %add3A_432 = arith.constant 16 : i32
          %add3A_433 = vector.broadcast %add3A_432 : i32 to vector<16xi32>
          %add3A_434 = arith.addi %xor3A_428, %add3A_433 : vector<16xi32>
          %select_n3A_435 = arith.select %lt3A_431, %add3A_434, %xor3A_428 : vector<16xi1>, vector<16xi32>
          %broadcast_in_dim3A_436 = vector.shape_cast %select_n3A_435 : vector<16xi32> to vector<16x1xi32>
          %gather3A_437 = vector.shape_cast %broadcast_in_dim3A_436 : vector<16x1xi32> to vector<16xi32>
          %gather3A_438 = tpu.dynamic_gather %add3A_425[%gather3A_437] in [0] : vector<16xf32>, vector<16xi32> -> vector<16xf32>
          %add3A_439 = arith.addf %add3A_425, %gather3A_438 : vector<16xf32>
          %xor3A_440 = arith.constant 8 : i32
          %xor3A_441 = vector.broadcast %xor3A_440 : i32 to vector<16xi32>
          %xor3A_442 = arith.xori %iota3A, %xor3A_441 : vector<16xi32>
          %lt3A_443 = arith.constant 0 : i32
          %lt3A_444 = vector.broadcast %lt3A_443 : i32 to vector<16xi32>
          %lt3A_445 = arith.cmpi slt, %xor3A_442, %lt3A_444 : vector<16xi32>
          %add3A_446 = arith.constant 16 : i32
          %add3A_447 = vector.broadcast %add3A_446 : i32 to vector<16xi32>
          %add3A_448 = arith.addi %xor3A_442, %add3A_447 : vector<16xi32>
          %select_n3A_449 = arith.select %lt3A_445, %add3A_448, %xor3A_442 : vector<16xi1>, vector<16xi32>
          %broadcast_in_dim3A_450 = vector.shape_cast %select_n3A_449 : vector<16xi32> to vector<16x1xi32>
          %gather3A_451 = vector.shape_cast %broadcast_in_dim3A_450 : vector<16x1xi32> to vector<16xi32>
          %gather3A_452 = tpu.dynamic_gather %add3A_439[%gather3A_451] in [0] : vector<16xf32>, vector<16xi32> -> vector<16xf32>
          %add3A_453 = arith.addf %add3A_439, %gather3A_452 : vector<16xf32>
          %slice3A_454 = vector.extract_strided_slice %add3A_453 {offsets = [0], sizes = [1], strides = [1]} : vector<16xf32> to vector<1xf32>
          %squeeze3A_455 = vector.extract %slice3A_454[0] : f32 from vector<1xf32>
          %ge3A_456 = arith.cmpf oge, %squeeze3A_455, %min3A : f32
          %select_n3A_457 = arith.select %ge3A_456, %add3A_390, %scan3A_365 : i32
          %sub3A_458 = arith.constant 1 : i32
          %sub3A_459 = arith.subi %add3A_390, %sub3A_458 : i32
          %select_n3A_460 = arith.select %ge3A_456, %scan3A_366, %sub3A_459 : i32
          scf.yield %select_n3A_457, %select_n3A_460 : i32, i32
        }
        %scan3A_223 = arith.constant 31 : i32
        %bitcast_convert_type3A = arith.bitcast %scan3A_222#0 : i32 to f32
        %add3A_224 = arith.constant 1 : i32
        %add3A_225 = arith.addi %scan3A_222#0, %add3A_224 : i32
        %bitcast_convert_type3A_226 = arith.bitcast %add3A_225 : i32 to f32
        %scan3A_227 = arith.constant 0 : i32
        %scan3A_228 = arith.constant 546 : i32
        %scan3A_229 = arith.addi %scan3A_227, %scan3A_228 : i32
        %scan3A_230 = arith.constant 1 : i32
        %scan3A_231 = scf.for %scan3A_364 = %scan3A_227 to %scan3A_229 step %scan3A_230 iter_args(%scan3A_365 = %broadcast_in_dim3A_66) -> (vector<16xf32>)  : i32 {
          %mul3A_366 = arith.constant 16 : i32
          %mul3A_367 = arith.muli %scan3A_364, %mul3A_366 : i32
          %get3A_368 = arith.index_cast %mul3A_367 : i32 to index
          %get3A_369 = tpu.vector_load %arg6[%get3A_368] {strides = array<i32>} : memref<8736xf32, #tpu.memory_space<vmem>>, vector<16xf32>,
          %get3A_370 = vector.shape_cast %get3A_369 : vector<16xf32> to vector<16xf32>
          %ge3A_371 = vector.broadcast %bitcast_convert_type3A_226 : f32 to vector<16xf32>
          %ge3A_372 = arith.cmpf oge, %get3A_370, %ge3A_371 : vector<16xf32>
          %jit3A_373 = arith.constant 1.000000e+00 : f32
          %jit3A_374 = arith.constant 0.000000e+00 : f32
          %broadcast_in_dim3A_375 = vector.broadcast %jit3A_373 : f32 to vector<16xf32>
          %broadcast_in_dim3A_376 = vector.broadcast %jit3A_374 : f32 to vector<16xf32>
          %select_n3A_377 = arith.select %ge3A_372, %broadcast_in_dim3A_375, %broadcast_in_dim3A_376 : vector<16xi1>, vector<16xf32>
          %add3A_378 = arith.addf %scan3A_365, %select_n3A_377 : vector<16xf32>
          scf.yield %add3A_378 : vector<16xf32>
        }
        %scan3A_232 = arith.constant 546 : i32
        %xor3A_233 = arith.constant 1 : i32
        %xor3A_234 = vector.broadcast %xor3A_233 : i32 to vector<16xi32>
        %xor3A_235 = arith.xori %iota3A, %xor3A_234 : vector<16xi32>
        %lt3A_236 = arith.constant 0 : i32
        %lt3A_237 = vector.broadcast %lt3A_236 : i32 to vector<16xi32>
        %lt3A_238 = arith.cmpi slt, %xor3A_235, %lt3A_237 : vector<16xi32>
        %add3A_239 = arith.constant 16 : i32
        %add3A_240 = vector.broadcast %add3A_239 : i32 to vector<16xi32>
        %add3A_241 = arith.addi %xor3A_235, %add3A_240 : vector<16xi32>
        %select_n3A_242 = arith.select %lt3A_238, %add3A_241, %xor3A_235 : vector<16xi1>, vector<16xi32>
        %broadcast_in_dim3A_243 = vector.shape_cast %select_n3A_242 : vector<16xi32> to vector<16x1xi32>
        %gather3A_244 = vector.shape_cast %broadcast_in_dim3A_243 : vector<16x1xi32> to vector<16xi32>
        %gather3A_245 = tpu.dynamic_gather %scan3A_231[%gather3A_244] in [0] : vector<16xf32>, vector<16xi32> -> vector<16xf32>
        %add3A_246 = arith.addf %scan3A_231, %gather3A_245 : vector<16xf32>
        %xor3A_247 = arith.constant 2 : i32
        %xor3A_248 = vector.broadcast %xor3A_247 : i32 to vector<16xi32>
        %xor3A_249 = arith.xori %iota3A, %xor3A_248 : vector<16xi32>
        %lt3A_250 = arith.constant 0 : i32
        %lt3A_251 = vector.broadcast %lt3A_250 : i32 to vector<16xi32>
        %lt3A_252 = arith.cmpi slt, %xor3A_249, %lt3A_251 : vector<16xi32>
        %add3A_253 = arith.constant 16 : i32
        %add3A_254 = vector.broadcast %add3A_253 : i32 to vector<16xi32>
        %add3A_255 = arith.addi %xor3A_249, %add3A_254 : vector<16xi32>
        %select_n3A_256 = arith.select %lt3A_252, %add3A_255, %xor3A_249 : vector<16xi1>, vector<16xi32>
        %broadcast_in_dim3A_257 = vector.shape_cast %select_n3A_256 : vector<16xi32> to vector<16x1xi32>
        %gather3A_258 = vector.shape_cast %broadcast_in_dim3A_257 : vector<16x1xi32> to vector<16xi32>
        %gather3A_259 = tpu.dynamic_gather %add3A_246[%gather3A_258] in [0] : vector<16xf32>, vector<16xi32> -> vector<16xf32>
        %add3A_260 = arith.addf %add3A_246, %gather3A_259 : vector<16xf32>
        %xor3A_261 = arith.constant 4 : i32
        %xor3A_262 = vector.broadcast %xor3A_261 : i32 to vector<16xi32>
        %xor3A_263 = arith.xori %iota3A, %xor3A_262 : vector<16xi32>
        %lt3A_264 = arith.constant 0 : i32
        %lt3A_265 = vector.broadcast %lt3A_264 : i32 to vector<16xi32>
        %lt3A_266 = arith.cmpi slt, %xor3A_263, %lt3A_265 : vector<16xi32>
        %add3A_267 = arith.constant 16 : i32
        %add3A_268 = vector.broadcast %add3A_267 : i32 to vector<16xi32>
        %add3A_269 = arith.addi %xor3A_263, %add3A_268 : vector<16xi32>
        %select_n3A_270 = arith.select %lt3A_266, %add3A_269, %xor3A_263 : vector<16xi1>, vector<16xi32>
        %broadcast_in_dim3A_271 = vector.shape_cast %select_n3A_270 : vector<16xi32> to vector<16x1xi32>
        %gather3A_272 = vector.shape_cast %broadcast_in_dim3A_271 : vector<16x1xi32> to vector<16xi32>
        %gather3A_273 = tpu.dynamic_gather %add3A_260[%gather3A_272] in [0] : vector<16xf32>, vector<16xi32> -> vector<16xf32>
        %add3A_274 = arith.addf %add3A_260, %gather3A_273 : vector<16xf32>
        %xor3A_275 = arith.constant 8 : i32
        %xor3A_276 = vector.broadcast %xor3A_275 : i32 to vector<16xi32>
        %xor3A_277 = arith.xori %iota3A, %xor3A_276 : vector<16xi32>
        %lt3A_278 = arith.constant 0 : i32
        %lt3A_279 = vector.broadcast %lt3A_278 : i32 to vector<16xi32>
        %lt3A_280 = arith.cmpi slt, %xor3A_277, %lt3A_279 : vector<16xi32>
        %add3A_281 = arith.constant 16 : i32
        %add3A_282 = vector.broadcast %add3A_281 : i32 to vector<16xi32>
        %add3A_283 = arith.addi %xor3A_277, %add3A_282 : vector<16xi32>
        %select_n3A_284 = arith.select %lt3A_280, %add3A_283, %xor3A_277 : vector<16xi1>, vector<16xi32>
        %broadcast_in_dim3A_285 = vector.shape_cast %select_n3A_284 : vector<16xi32> to vector<16x1xi32>
        %gather3A_286 = vector.shape_cast %broadcast_in_dim3A_285 : vector<16x1xi32> to vector<16xi32>
        %gather3A_287 = tpu.dynamic_gather %add3A_274[%gather3A_286] in [0] : vector<16xf32>, vector<16xi32> -> vector<16xf32>
        %add3A_288 = arith.addf %add3A_274, %gather3A_287 : vector<16xf32>
        %slice3A_289 = vector.extract_strided_slice %add3A_288 {offsets = [0], sizes = [1], strides = [1]} : vector<16xf32> to vector<1xf32>
        %squeeze3A_290 = vector.extract %slice3A_289[0] : f32 from vector<1xf32>
        %sub3A_291 = arith.subf %min3A, %squeeze3A_290 : f32
        %scan3A_292 = arith.constant 0 : i32
        %scan3A_293 = arith.constant 8735 : i32
        %scan3A_294 = arith.constant 0 : i32
        %scan3A_295 = arith.constant 14 : i32
        %scan3A_296 = arith.addi %scan3A_294, %scan3A_295 : i32
        %scan3A_297 = arith.constant 1 : i32
        %scan3A_298:2 = scf.for %scan3A_364 = %scan3A_294 to %scan3A_296 step %scan3A_297 iter_args(%scan3A_365 = %scan3A_292, %scan3A_366 = %scan3A_293) -> (i32, i32)  : i32 {
          %add3A_367 = arith.addi %scan3A_365, %scan3A_366 : i32
          %jit3A_368 = arith.constant 2 : i32
          %div3A = arith.divsi %add3A_367, %jit3A_368 : i32
          %sign3A = arith.constant 0 : i32
          %sign3A_369 = arith.cmpi sgt, %add3A_367, %sign3A : i32
          %sign3A_370 = arith.extui %sign3A_369 : i1 to i32
          %sign3A_371 = arith.constant 0 : i32
          %sign3A_372 = arith.cmpi slt, %add3A_367, %sign3A_371 : i32
          %sign3A_373 = arith.extui %sign3A_372 : i1 to i32
          %sign3A_374 = arith.subi %sign3A_370, %sign3A_373 : i32
          %sign3A_375 = arith.constant 0 : i32
          %sign3A_376 = arith.cmpi sgt, %jit3A_368, %sign3A_375 : i32
          %sign3A_377 = arith.extui %sign3A_376 : i1 to i32
          %sign3A_378 = arith.constant 0 : i32
          %sign3A_379 = arith.cmpi slt, %jit3A_368, %sign3A_378 : i32
          %sign3A_380 = arith.extui %sign3A_379 : i1 to i32
          %sign3A_381 = arith.subi %sign3A_377, %sign3A_380 : i32
          %ne3A = arith.cmpi ne, %sign3A_374, %sign3A_381 : i32
          %rem3A = arith.remsi %add3A_367, %jit3A_368 : i32
          %ne3A_382 = arith.constant 0 : i32
          %ne3A_383 = arith.cmpi ne, %rem3A, %ne3A_382 : i32
          %and3A = arith.andi %ne3A, %ne3A_383 : i1
          %sub3A_384 = arith.constant 1 : i32
          %sub3A_385 = arith.subi %div3A, %sub3A_384 : i32
          %select_n3A_386 = arith.select %and3A, %sub3A_385, %div3A : i32
          %scan3A_387 = arith.constant 0 : i32
          %scan3A_388 = arith.constant 546 : i32
          %scan3A_389 = arith.addi %scan3A_387, %scan3A_388 : i32
          %scan3A_390 = arith.constant 1 : i32
          %scan3A_391 = scf.for %scan3A_456 = %scan3A_387 to %scan3A_389 step %scan3A_390 iter_args(%scan3A_457 = %broadcast_in_dim3A_66) -> (vector<16xf32>)  : i32 {
            %mul3A_458 = arith.constant 16 : i32
            %mul3A_459 = arith.muli %scan3A_456, %mul3A_458 : i32
            %get3A_460 = arith.index_cast %mul3A_459 : i32 to index
            %get3A_461 = tpu.vector_load %arg6[%get3A_460] {strides = array<i32>} : memref<8736xf32, #tpu.memory_space<vmem>>, vector<16xf32>,
            %get3A_462 = vector.shape_cast %get3A_461 : vector<16xf32> to vector<16xf32>
            %eq3A_463 = vector.broadcast %bitcast_convert_type3A : f32 to vector<16xf32>
            %eq3A_464 = arith.cmpf oeq, %get3A_462, %eq3A_463 : vector<16xf32>
            %mul3A_465 = arith.constant 16 : i32
            %mul3A_466 = arith.muli %scan3A_456, %mul3A_465 : i32
            %add3A_467 = vector.broadcast %mul3A_466 : i32 to vector<16xi32>
            %add3A_468 = arith.addi %add3A_467, %iota3A : vector<16xi32>
            %le3A = vector.broadcast %select_n3A_386 : i32 to vector<16xi32>
            %le3A_469 = arith.cmpi sle, %add3A_468, %le3A : vector<16xi32>
            %and3A_470 = arith.andi %eq3A_464, %le3A_469 : vector<16xi1>
            %jit3A_471 = arith.constant 1.000000e+00 : f32
            %jit3A_472 = arith.constant 0.000000e+00 : f32
            %broadcast_in_dim3A_473 = vector.broadcast %jit3A_471 : f32 to vector<16xf32>
            %broadcast_in_dim3A_474 = vector.broadcast %jit3A_472 : f32 to vector<16xf32>
            %select_n3A_475 = arith.select %and3A_470, %broadcast_in_dim3A_473, %broadcast_in_dim3A_474 : vector<16xi1>, vector<16xf32>
            %add3A_476 = arith.addf %scan3A_457, %select_n3A_475 : vector<16xf32>
            scf.yield %add3A_476 : vector<16xf32>
          }
          %scan3A_392 = arith.constant 546 : i32
          %xor3A_393 = arith.constant 1 : i32
          %xor3A_394 = vector.broadcast %xor3A_393 : i32 to vector<16xi32>
          %xor3A_395 = arith.xori %iota3A, %xor3A_394 : vector<16xi32>
          %lt3A_396 = arith.constant 0 : i32
          %lt3A_397 = vector.broadcast %lt3A_396 : i32 to vector<16xi32>
          %lt3A_398 = arith.cmpi slt, %xor3A_395, %lt3A_397 : vector<16xi32>
          %add3A_399 = arith.constant 16 : i32
          %add3A_400 = vector.broadcast %add3A_399 : i32 to vector<16xi32>
          %add3A_401 = arith.addi %xor3A_395, %add3A_400 : vector<16xi32>
          %select_n3A_402 = arith.select %lt3A_398, %add3A_401, %xor3A_395 : vector<16xi1>, vector<16xi32>
          %broadcast_in_dim3A_403 = vector.shape_cast %select_n3A_402 : vector<16xi32> to vector<16x1xi32>
          %gather3A_404 = vector.shape_cast %broadcast_in_dim3A_403 : vector<16x1xi32> to vector<16xi32>
          %gather3A_405 = tpu.dynamic_gather %scan3A_391[%gather3A_404] in [0] : vector<16xf32>, vector<16xi32> -> vector<16xf32>
          %add3A_406 = arith.addf %scan3A_391, %gather3A_405 : vector<16xf32>
          %xor3A_407 = arith.constant 2 : i32
          %xor3A_408 = vector.broadcast %xor3A_407 : i32 to vector<16xi32>
          %xor3A_409 = arith.xori %iota3A, %xor3A_408 : vector<16xi32>
          %lt3A_410 = arith.constant 0 : i32
          %lt3A_411 = vector.broadcast %lt3A_410 : i32 to vector<16xi32>
          %lt3A_412 = arith.cmpi slt, %xor3A_409, %lt3A_411 : vector<16xi32>
          %add3A_413 = arith.constant 16 : i32
          %add3A_414 = vector.broadcast %add3A_413 : i32 to vector<16xi32>
          %add3A_415 = arith.addi %xor3A_409, %add3A_414 : vector<16xi32>
          %select_n3A_416 = arith.select %lt3A_412, %add3A_415, %xor3A_409 : vector<16xi1>, vector<16xi32>
          %broadcast_in_dim3A_417 = vector.shape_cast %select_n3A_416 : vector<16xi32> to vector<16x1xi32>
          %gather3A_418 = vector.shape_cast %broadcast_in_dim3A_417 : vector<16x1xi32> to vector<16xi32>
          %gather3A_419 = tpu.dynamic_gather %add3A_406[%gather3A_418] in [0] : vector<16xf32>, vector<16xi32> -> vector<16xf32>
          %add3A_420 = arith.addf %add3A_406, %gather3A_419 : vector<16xf32>
          %xor3A_421 = arith.constant 4 : i32
          %xor3A_422 = vector.broadcast %xor3A_421 : i32 to vector<16xi32>
          %xor3A_423 = arith.xori %iota3A, %xor3A_422 : vector<16xi32>
          %lt3A_424 = arith.constant 0 : i32
          %lt3A_425 = vector.broadcast %lt3A_424 : i32 to vector<16xi32>
          %lt3A_426 = arith.cmpi slt, %xor3A_423, %lt3A_425 : vector<16xi32>
          %add3A_427 = arith.constant 16 : i32
          %add3A_428 = vector.broadcast %add3A_427 : i32 to vector<16xi32>
          %add3A_429 = arith.addi %xor3A_423, %add3A_428 : vector<16xi32>
          %select_n3A_430 = arith.select %lt3A_426, %add3A_429, %xor3A_423 : vector<16xi1>, vector<16xi32>
          %broadcast_in_dim3A_431 = vector.shape_cast %select_n3A_430 : vector<16xi32> to vector<16x1xi32>
          %gather3A_432 = vector.shape_cast %broadcast_in_dim3A_431 : vector<16x1xi32> to vector<16xi32>
          %gather3A_433 = tpu.dynamic_gather %add3A_420[%gather3A_432] in [0] : vector<16xf32>, vector<16xi32> -> vector<16xf32>
          %add3A_434 = arith.addf %add3A_420, %gather3A_433 : vector<16xf32>
          %xor3A_435 = arith.constant 8 : i32
          %xor3A_436 = vector.broadcast %xor3A_435 : i32 to vector<16xi32>
          %xor3A_437 = arith.xori %iota3A, %xor3A_436 : vector<16xi32>
          %lt3A_438 = arith.constant 0 : i32
          %lt3A_439 = vector.broadcast %lt3A_438 : i32 to vector<16xi32>
          %lt3A_440 = arith.cmpi slt, %xor3A_437, %lt3A_439 : vector<16xi32>
          %add3A_441 = arith.constant 16 : i32
          %add3A_442 = vector.broadcast %add3A_441 : i32 to vector<16xi32>
          %add3A_443 = arith.addi %xor3A_437, %add3A_442 : vector<16xi32>
          %select_n3A_444 = arith.select %lt3A_440, %add3A_443, %xor3A_437 : vector<16xi1>, vector<16xi32>
          %broadcast_in_dim3A_445 = vector.shape_cast %select_n3A_444 : vector<16xi32> to vector<16x1xi32>
          %gather3A_446 = vector.shape_cast %broadcast_in_dim3A_445 : vector<16x1xi32> to vector<16xi32>
          %gather3A_447 = tpu.dynamic_gather %add3A_434[%gather3A_446] in [0] : vector<16xf32>, vector<16xi32> -> vector<16xf32>
          %add3A_448 = arith.addf %add3A_434, %gather3A_447 : vector<16xf32>
          %slice3A_449 = vector.extract_strided_slice %add3A_448 {offsets = [0], sizes = [1], strides = [1]} : vector<16xf32> to vector<1xf32>
          %squeeze3A_450 = vector.extract %slice3A_449[0] : f32 from vector<1xf32>
          %ge3A_451 = arith.cmpf oge, %squeeze3A_450, %sub3A_291 : f32
          %add3A_452 = arith.constant 1 : i32
          %add3A_453 = arith.addi %select_n3A_386, %add3A_452 : i32
          %select_n3A_454 = arith.select %ge3A_451, %scan3A_365, %add3A_453 : i32
          %select_n3A_455 = arith.select %ge3A_451, %select_n3A_386, %scan3A_366 : i32
          scf.yield %select_n3A_454, %select_n3A_455 : i32, i32
        }
        %scan3A_299 = arith.constant 14 : i32
        %scan3A_300 = arith.constant 0 : i32
        %scan3A_301 = arith.constant 546 : i32
        %scan3A_302 = arith.addi %scan3A_300, %scan3A_301 : i32
        %scan3A_303 = arith.constant 1 : i32
        %scan3A_304 = scf.for %scan3A_364 = %scan3A_300 to %scan3A_302 step %scan3A_303 iter_args(%scan3A_365 = %broadcast_in_dim3A_66) -> (vector<16xf32>)  : i32 {
          %mul3A_366 = arith.constant 16 : i32
          %mul3A_367 = arith.muli %scan3A_364, %mul3A_366 : i32
          %get3A_368 = arith.index_cast %mul3A_367 : i32 to index
          %get3A_369 = tpu.vector_load %arg6[%get3A_368] {strides = array<i32>} : memref<8736xf32, #tpu.memory_space<vmem>>, vector<16xf32>,
          %get3A_370 = vector.shape_cast %get3A_369 : vector<16xf32> to vector<16xf32>
          %gt3A = vector.broadcast %bitcast_convert_type3A : f32 to vector<16xf32>
          %gt3A_371 = arith.cmpf ogt, %get3A_370, %gt3A : vector<16xf32>
          %eq3A_372 = vector.broadcast %bitcast_convert_type3A : f32 to vector<16xf32>
          %eq3A_373 = arith.cmpf oeq, %get3A_370, %eq3A_372 : vector<16xf32>
          %mul3A_374 = arith.constant 16 : i32
          %mul3A_375 = arith.muli %scan3A_364, %mul3A_374 : i32
          %add3A_376 = vector.broadcast %mul3A_375 : i32 to vector<16xi32>
          %add3A_377 = arith.addi %add3A_376, %iota3A : vector<16xi32>
          %le3A = vector.broadcast %scan3A_298#0 : i32 to vector<16xi32>
          %le3A_378 = arith.cmpi sle, %add3A_377, %le3A : vector<16xi32>
          %and3A = arith.andi %eq3A_373, %le3A_378 : vector<16xi1>
          %or3A = arith.ori %gt3A_371, %and3A : vector<16xi1>
          %mul3A_379 = arith.constant 16 : i32
          %mul3A_380 = arith.muli %scan3A_364, %mul3A_379 : i32
          %get3A_381 = arith.index_cast %mul3A_380 : i32 to index
          %get3A_382 = tpu.vector_load %arg7[%get3A_381] {strides = array<i32>} : memref<8736xf32, #tpu.memory_space<vmem>>, vector<16xf32>,
          %get3A_383 = vector.shape_cast %get3A_382 : vector<16xf32> to vector<16xf32>
          %jit3A_384 = arith.constant 0.000000e+00 : f32
          %broadcast_in_dim3A_385 = vector.broadcast %jit3A_384 : f32 to vector<16xf32>
          %select_n3A_386 = arith.select %or3A, %get3A_383, %broadcast_in_dim3A_385 : vector<16xi1>, vector<16xf32>
          %add3A_387 = arith.addf %scan3A_365, %select_n3A_386 : vector<16xf32>
          scf.yield %add3A_387 : vector<16xf32>
        }
        %scan3A_305 = arith.constant 546 : i32
        %xor3A_306 = arith.constant 1 : i32
        %xor3A_307 = vector.broadcast %xor3A_306 : i32 to vector<16xi32>
        %xor3A_308 = arith.xori %iota3A, %xor3A_307 : vector<16xi32>
        %lt3A_309 = arith.constant 0 : i32
        %lt3A_310 = vector.broadcast %lt3A_309 : i32 to vector<16xi32>
        %lt3A_311 = arith.cmpi slt, %xor3A_308, %lt3A_310 : vector<16xi32>
        %add3A_312 = arith.constant 16 : i32
        %add3A_313 = vector.broadcast %add3A_312 : i32 to vector<16xi32>
        %add3A_314 = arith.addi %xor3A_308, %add3A_313 : vector<16xi32>
        %select_n3A_315 = arith.select %lt3A_311, %add3A_314, %xor3A_308 : vector<16xi1>, vector<16xi32>
        %broadcast_in_dim3A_316 = vector.shape_cast %select_n3A_315 : vector<16xi32> to vector<16x1xi32>
        %gather3A_317 = vector.shape_cast %broadcast_in_dim3A_316 : vector<16x1xi32> to vector<16xi32>
        %gather3A_318 = tpu.dynamic_gather %scan3A_304[%gather3A_317] in [0] : vector<16xf32>, vector<16xi32> -> vector<16xf32>
        %add3A_319 = arith.addf %scan3A_304, %gather3A_318 : vector<16xf32>
        %xor3A_320 = arith.constant 2 : i32
        %xor3A_321 = vector.broadcast %xor3A_320 : i32 to vector<16xi32>
        %xor3A_322 = arith.xori %iota3A, %xor3A_321 : vector<16xi32>
        %lt3A_323 = arith.constant 0 : i32
        %lt3A_324 = vector.broadcast %lt3A_323 : i32 to vector<16xi32>
        %lt3A_325 = arith.cmpi slt, %xor3A_322, %lt3A_324 : vector<16xi32>
        %add3A_326 = arith.constant 16 : i32
        %add3A_327 = vector.broadcast %add3A_326 : i32 to vector<16xi32>
        %add3A_328 = arith.addi %xor3A_322, %add3A_327 : vector<16xi32>
        %select_n3A_329 = arith.select %lt3A_325, %add3A_328, %xor3A_322 : vector<16xi1>, vector<16xi32>
        %broadcast_in_dim3A_330 = vector.shape_cast %select_n3A_329 : vector<16xi32> to vector<16x1xi32>
        %gather3A_331 = vector.shape_cast %broadcast_in_dim3A_330 : vector<16x1xi32> to vector<16xi32>
        %gather3A_332 = tpu.dynamic_gather %add3A_319[%gather3A_331] in [0] : vector<16xf32>, vector<16xi32> -> vector<16xf32>
        %add3A_333 = arith.addf %add3A_319, %gather3A_332 : vector<16xf32>
        %xor3A_334 = arith.constant 4 : i32
        %xor3A_335 = vector.broadcast %xor3A_334 : i32 to vector<16xi32>
        %xor3A_336 = arith.xori %iota3A, %xor3A_335 : vector<16xi32>
        %lt3A_337 = arith.constant 0 : i32
        %lt3A_338 = vector.broadcast %lt3A_337 : i32 to vector<16xi32>
        %lt3A_339 = arith.cmpi slt, %xor3A_336, %lt3A_338 : vector<16xi32>
        %add3A_340 = arith.constant 16 : i32
        %add3A_341 = vector.broadcast %add3A_340 : i32 to vector<16xi32>
        %add3A_342 = arith.addi %xor3A_336, %add3A_341 : vector<16xi32>
        %select_n3A_343 = arith.select %lt3A_339, %add3A_342, %xor3A_336 : vector<16xi1>, vector<16xi32>
        %broadcast_in_dim3A_344 = vector.shape_cast %select_n3A_343 : vector<16xi32> to vector<16x1xi32>
        %gather3A_345 = vector.shape_cast %broadcast_in_dim3A_344 : vector<16x1xi32> to vector<16xi32>
        %gather3A_346 = tpu.dynamic_gather %add3A_333[%gather3A_345] in [0] : vector<16xf32>, vector<16xi32> -> vector<16xf32>
        %add3A_347 = arith.addf %add3A_333, %gather3A_346 : vector<16xf32>
        %xor3A_348 = arith.constant 8 : i32
        %xor3A_349 = vector.broadcast %xor3A_348 : i32 to vector<16xi32>
        %xor3A_350 = arith.xori %iota3A, %xor3A_349 : vector<16xi32>
        %lt3A_351 = arith.constant 0 : i32
        %lt3A_352 = vector.broadcast %lt3A_351 : i32 to vector<16xi32>
        %lt3A_353 = arith.cmpi slt, %xor3A_350, %lt3A_352 : vector<16xi32>
        %add3A_354 = arith.constant 16 : i32
        %add3A_355 = vector.broadcast %add3A_354 : i32 to vector<16xi32>
        %add3A_356 = arith.addi %xor3A_350, %add3A_355 : vector<16xi32>
        %select_n3A_357 = arith.select %lt3A_353, %add3A_356, %xor3A_350 : vector<16xi1>, vector<16xi32>
        %broadcast_in_dim3A_358 = vector.shape_cast %select_n3A_357 : vector<16xi32> to vector<16x1xi32>
        %gather3A_359 = vector.shape_cast %broadcast_in_dim3A_358 : vector<16x1xi32> to vector<16xi32>
        %gather3A_360 = tpu.dynamic_gather %add3A_347[%gather3A_359] in [0] : vector<16xf32>, vector<16xi32> -> vector<16xf32>
        %add3A_361 = arith.addf %add3A_347, %gather3A_360 : vector<16xf32>
        %slice3A_362 = vector.extract_strided_slice %add3A_361 {offsets = [0], sizes = [1], strides = [1]} : vector<16xf32> to vector<1xf32>
        %squeeze3A_363 = vector.extract %slice3A_362[0] : f32 from vector<1xf32>
        scf.yield %squeeze3A_363 : f32
      }
      scf.yield %cond3A_215 : f32
    }
    %eq3A_193 = arith.constant 0 : i32
    %eq3A_194 = vector.broadcast %eq3A_193 : i32 to vector<16xi32>
    %eq3A_195 = arith.cmpi eq, %iota3A, %eq3A_194 : vector<16xi32>
    %eq3A_196 = arith.constant 1 : i32
    %eq3A_197 = vector.broadcast %eq3A_196 : i32 to vector<16xi32>
    %eq3A_198 = arith.cmpi eq, %iota3A, %eq3A_197 : vector<16xi32>
    %jit3A_199 = arith.constant 0.000000e+00 : f32
    %broadcast_in_dim3A_200 = vector.broadcast %min3A : f32 to vector<16xf32>
    %broadcast_in_dim3A_201 = vector.broadcast %jit3A_199 : f32 to vector<16xf32>
    %select_n3A_202 = arith.select %eq3A_198, %broadcast_in_dim3A_200, %broadcast_in_dim3A_201 : vector<16xi1>, vector<16xf32>
    %broadcast_in_dim3A_203 = vector.broadcast %cond3A_192 : f32 to vector<16xf32>
    %select_n3A_204 = arith.select %eq3A_195, %broadcast_in_dim3A_203, %select_n3A_202 : vector<16xi1>, vector<16xf32>
    %swap3A = arith.constant 0 : index
    %swap3A_205 = tpu.vector_load %arg9[%swap3A] {strides = array<i32>} : memref<16xf32, #tpu.memory_space<vmem>>, vector<16xf32>,
    %swap3A_206 = vector.shape_cast %swap3A_205 : vector<16xf32> to vector<16xf32>
    %swap3A_207 = vector.shape_cast %select_n3A_204 : vector<16xf32> to vector<16xf32>
    tpu.vector_store %arg9[%swap3A], %swap3A_207 {strides = array<i32>} : memref<16xf32, #tpu.memory_space<vmem>>, vector<16xf32>,
    %mul3A_208 = arith.constant 16 : i32
    %mul3A_209 = arith.muli %add3A, %mul3A_208 : i32
    "tpu.region"() ({
      %run_scoped3A = tpu.sem_alloc : memref<!tpu.dma_semaphore, #tpu.memory_space<semaphore_mem>>
      %dma_start3A = tpu.memref_slice %arg5[%mul3A_209] : memref<512xf32, #tpu.memory_space<hbm>> -> memref<16xf32, #tpu.memory_space<hbm>>
      %dma_start3A_210 = tpu.memref_slice %arg5[%mul3A_209] : memref<512xf32, #tpu.memory_space<hbm>> -> memref<16xf32, #tpu.memory_space<hbm>>
      tpu.enqueue_dma source(%arg9 : memref<16xf32, #tpu.memory_space<vmem>>) target(%dma_start3A_210 : memref<16xf32, #tpu.memory_space<hbm>>) target_semaphore(%run_scoped3A : memref<!tpu.dma_semaphore, #tpu.memory_space<semaphore_mem>>)
      %dma_wait3A = tpu.memref_slice %arg5[%mul3A_209] : memref<512xf32, #tpu.memory_space<hbm>> -> memref<16xf32, #tpu.memory_space<hbm>>
      %dma_wait3A_211 = tpu.memref_slice %arg5[%mul3A_209] : memref<512xf32, #tpu.memory_space<hbm>> -> memref<16xf32, #tpu.memory_space<hbm>>
      tpu.wait_dma2 semaphore(%run_scoped3A : memref<!tpu.dma_semaphore, #tpu.memory_space<semaphore_mem>>) src(%arg9 : memref<16xf32, #tpu.memory_space<vmem>>) dst(%dma_wait3A_211 : memref<16xf32, #tpu.memory_space<hbm>>)
      tpu.yield
    }) : () -> ()
    return
  }
}

module attributes {stable_mosaic.version = 14 : i64} {
  func.func @_tc_body(%arg0: i32, %arg1: memref<1x8732x81xf32, #tpu.memory_space<vmem>>, %arg2: memref<1x1x8732xi32, #tpu.memory_space<vmem>>, %arg3: memref<1x8732x4xf32, #tpu.memory_space<vmem>>, %arg4: memref<1x8732x4xf32, #tpu.memory_space<vmem>>, %arg5: memref<1x1x8736xf32, #tpu.memory_space<vmem>>, %arg6: memref<1x1x8736xf32, #tpu.memory_space<vmem>>, %arg7: memref<1x1x8xf32, #tpu.memory_space<vmem>>) attributes {dimension_semantics = [#tpu.dimension_semantics<arbitrary>], iteration_bounds = array<i64: 32>, scalar_prefetch = 0 : i64, scratch_operands = 0 : i64, tpu.core_type = #tpu.core_type<tc>, window_params = [{transform_indices = @transform_0, window_bounds = array<i64: 1, 8732, 81>}, {transform_indices = @transform_1, window_bounds = array<i64: 1, 1, 8732>}, {transform_indices = @transform_2, window_bounds = array<i64: 1, 8732, 4>}, {transform_indices = @transform_3, window_bounds = array<i64: 1, 8732, 4>}, {transform_indices = @transform_4, window_bounds = array<i64: 1, 1, 8736>}, {transform_indices = @transform_5, window_bounds = array<i64: 1, 1, 8736>}, {transform_indices = @transform_6, window_bounds = array<i64: 1, 1, 8>}]} {
    %iota3A = tpu.iota {dimensions = array<i32: 0>} : vector<81x81xi32>
    %iota3A_0 = tpu.iota {dimensions = array<i32: 1>} : vector<81x81xi32>
    %add3A = arith.constant 0 : i32
    %add3A_1 = vector.broadcast %add3A : i32 to vector<81x81xi32>
    %add3A_2 = arith.addi %iota3A, %add3A_1 : vector<81x81xi32>
    %eq3A = arith.cmpi eq, %add3A_2, %iota3A_0 : vector<81x81xi32>
    %convert_element_type3A = arith.extui %eq3A : vector<81x81xi1> to vector<81x81xi32>
    %convert_element_type3A_3 = arith.sitofp %convert_element_type3A : vector<81x81xi32> to vector<81x81xf32>
    %iota3A_4 = tpu.iota {dimensions = array<i32: 0>} : vector<4x4xi32>
    %iota3A_5 = tpu.iota {dimensions = array<i32: 1>} : vector<4x4xi32>
    %add3A_6 = arith.constant 0 : i32
    %add3A_7 = vector.broadcast %add3A_6 : i32 to vector<4x4xi32>
    %add3A_8 = arith.addi %iota3A_4, %add3A_7 : vector<4x4xi32>
    %eq3A_9 = arith.cmpi eq, %add3A_8, %iota3A_5 : vector<4x4xi32>
    %convert_element_type3A_10 = arith.extui %eq3A_9 : vector<4x4xi1> to vector<4x4xi32>
    %convert_element_type3A_11 = arith.sitofp %convert_element_type3A_10 : vector<4x4xi32> to vector<4x4xf32>
    %get3A = arith.constant 0 : index
    %get3A_12 = arith.constant 0 : index
    %get3A_13 = arith.constant 0 : index
    %get3A_14 = vector.load %arg1[%get3A, %get3A_12, %get3A_13] : memref<1x8732x81xf32, #tpu.memory_space<vmem>>, vector<1x2048x81xf32>
    %get3A_15 = vector.shape_cast %get3A_14 : vector<1x2048x81xf32> to vector<2048x81xf32>
    %dot_general3A = arith.constant dense<0.000000e+00> : vector<81x2048xf32>
    %dot_general3A_16 = tpu.matmul %convert_element_type3A_3, %get3A_15, %dot_general3A {dimension_numbers = #tpu.dot_dimension_numbers<[1], [1], [0], [0], [0, 0, 1, 0], [], []>, transpose_lhs_hint = false} : vector<81x81xf32>, vector<2048x81xf32>, vector<81x2048xf32> -> vector<81x2048xf32>
    %get3A_17 = arith.constant 0 : index
    %get3A_18 = arith.constant 0 : index
    %get3A_19 = arith.constant 0 : index
    %get3A_20 = vector.load %arg2[%get3A_17, %get3A_18, %get3A_19] : memref<1x1x8732xi32, #tpu.memory_space<vmem>>, vector<1x1x2048xi32>
    %get3A_21 = vector.shape_cast %get3A_20 : vector<1x1x2048xi32> to vector<1x2048xi32>
    %exp3A = math.exp %dot_general3A_16 : vector<81x2048xf32>
    %reduce_sum3A = arith.constant dense<0.000000e+00> : vector<2048xf32>
    %reduce_sum3A_22 = vector.multi_reduction <add>, %exp3A, %reduce_sum3A [0] : vector<81x2048xf32> to vector<2048xf32>
    %broadcast_in_dim3A = vector.shape_cast %reduce_sum3A_22 : vector<2048xf32> to vector<1x2048xf32>
    %iota3A_23 = tpu.iota {dimensions = array<i32: 0>} : vector<81x2048xi32>
    %eq3A_24 = vector.broadcast %get3A_21 : vector<1x2048xi32> to vector<81x2048xi32>
    %eq3A_25 = arith.cmpi eq, %iota3A_23, %eq3A_24 : vector<81x2048xi32>
    %jit3A = arith.constant 0.000000e+00 : f32
    %broadcast_in_dim3A_26 = vector.broadcast %jit3A : f32 to vector<81x2048xf32>
    %select_n3A = arith.select %eq3A_25, %dot_general3A_16, %broadcast_in_dim3A_26 : vector<81x2048xi1>, vector<81x2048xf32>
    %reduce_sum3A_27 = arith.constant dense<0.000000e+00> : vector<2048xf32>
    %reduce_sum3A_28 = vector.multi_reduction <add>, %select_n3A, %reduce_sum3A_27 [0] : vector<81x2048xf32> to vector<2048xf32>
    %broadcast_in_dim3A_29 = vector.shape_cast %reduce_sum3A_28 : vector<2048xf32> to vector<1x2048xf32>
    %log3A = math.log %broadcast_in_dim3A : vector<1x2048xf32>
    %sub3A = arith.subf %log3A, %broadcast_in_dim3A_29 : vector<1x2048xf32>
    %gt3A = arith.constant 0 : i32
    %gt3A_30 = vector.broadcast %gt3A : i32 to vector<1x2048xi32>
    %gt3A_31 = arith.cmpi sgt, %get3A_21, %gt3A_30 : vector<1x2048xi32>
    %slice3A = vector.extract_strided_slice %dot_general3A_16 {offsets = [0, 0], sizes = [1, 2048], strides = [1, 1]} : vector<81x2048xf32> to vector<1x2048xf32>
    %sub3A_32 = arith.subf %log3A, %slice3A : vector<1x2048xf32>
    %jit3A_33 = arith.constant -1.000000e+00 : f32
    %broadcast_in_dim3A_34 = vector.broadcast %jit3A_33 : f32 to vector<1x2048xf32>
    %select_n3A_35 = arith.select %gt3A_31, %broadcast_in_dim3A_34, %sub3A_32 : vector<1x2048xi1>, vector<1x2048xf32>
    %swap3A = arith.constant 0 : index
    %swap3A_36 = arith.constant 0 : index
    %swap3A_37 = arith.constant 0 : index
    %swap3A_38 = vector.load %arg5[%swap3A, %swap3A_36, %swap3A_37] : memref<1x1x8736xf32, #tpu.memory_space<vmem>>, vector<1x1x2048xf32>
    %swap3A_39 = vector.shape_cast %swap3A_38 : vector<1x1x2048xf32> to vector<1x2048xf32>
    %swap3A_40 = vector.shape_cast %select_n3A_35 : vector<1x2048xf32> to vector<1x1x2048xf32>
    tpu.vector_store %arg5[%swap3A, %swap3A_36, %swap3A_37], %swap3A_40 {strides = array<i32>} : memref<1x1x8736xf32, #tpu.memory_space<vmem>>, vector<1x1x2048xf32>,
    %swap3A_41 = arith.constant 0 : index
    %swap3A_42 = arith.constant 0 : index
    %swap3A_43 = arith.constant 0 : index
    %swap3A_44 = vector.load %arg6[%swap3A_41, %swap3A_42, %swap3A_43] : memref<1x1x8736xf32, #tpu.memory_space<vmem>>, vector<1x1x2048xf32>
    %swap3A_45 = vector.shape_cast %swap3A_44 : vector<1x1x2048xf32> to vector<1x2048xf32>
    %swap3A_46 = vector.shape_cast %sub3A : vector<1x2048xf32> to vector<1x1x2048xf32>
    tpu.vector_store %arg6[%swap3A_41, %swap3A_42, %swap3A_43], %swap3A_46 {strides = array<i32>} : memref<1x1x8736xf32, #tpu.memory_space<vmem>>, vector<1x1x2048xf32>,
    %get3A_47 = arith.constant 0 : index
    %get3A_48 = arith.constant 0 : index
    %get3A_49 = arith.constant 0 : index
    %get3A_50 = vector.load %arg3[%get3A_47, %get3A_48, %get3A_49] : memref<1x8732x4xf32, #tpu.memory_space<vmem>>, vector<1x2048x4xf32>
    %get3A_51 = vector.shape_cast %get3A_50 : vector<1x2048x4xf32> to vector<2048x4xf32>
    %dot_general3A_52 = arith.constant dense<0.000000e+00> : vector<4x2048xf32>
    %dot_general3A_53 = tpu.matmul %convert_element_type3A_11, %get3A_51, %dot_general3A_52 {dimension_numbers = #tpu.dot_dimension_numbers<[1], [1], [0], [0], [0, 0, 1, 0], [], []>, transpose_lhs_hint = false} : vector<4x4xf32>, vector<2048x4xf32>, vector<4x2048xf32> -> vector<4x2048xf32>
    %get3A_54 = arith.constant 0 : index
    %get3A_55 = arith.constant 0 : index
    %get3A_56 = arith.constant 0 : index
    %get3A_57 = vector.load %arg4[%get3A_54, %get3A_55, %get3A_56] : memref<1x8732x4xf32, #tpu.memory_space<vmem>>, vector<1x2048x4xf32>
    %get3A_58 = vector.shape_cast %get3A_57 : vector<1x2048x4xf32> to vector<2048x4xf32>
    %dot_general3A_59 = arith.constant dense<0.000000e+00> : vector<4x2048xf32>
    %dot_general3A_60 = tpu.matmul %convert_element_type3A_11, %get3A_58, %dot_general3A_59 {dimension_numbers = #tpu.dot_dimension_numbers<[1], [1], [0], [0], [0, 0, 1, 0], [], []>, transpose_lhs_hint = false} : vector<4x4xf32>, vector<2048x4xf32>, vector<4x2048xf32> -> vector<4x2048xf32>
    %sub3A_61 = arith.subf %dot_general3A_53, %dot_general3A_60 : vector<4x2048xf32>
    %abs3A = math.absf %sub3A_61 : vector<4x2048xf32>
    %lt3A = arith.constant 1.000000e+00 : f32
    %lt3A_62 = vector.broadcast %lt3A : f32 to vector<4x2048xf32>
    %lt3A_63 = arith.cmpf olt, %abs3A, %lt3A_62 : vector<4x2048xf32>
    %mul3A = arith.constant 5.000000e-01 : f32
    %mul3A_64 = vector.broadcast %mul3A : f32 to vector<4x2048xf32>
    %mul3A_65 = arith.mulf %mul3A_64, %sub3A_61 : vector<4x2048xf32>
    %mul3A_66 = arith.mulf %mul3A_65, %sub3A_61 : vector<4x2048xf32>
    %sub3A_67 = arith.constant 5.000000e-01 : f32
    %sub3A_68 = vector.broadcast %sub3A_67 : f32 to vector<4x2048xf32>
    %sub3A_69 = arith.subf %abs3A, %sub3A_68 : vector<4x2048xf32>
    %select_n3A_70 = arith.select %lt3A_63, %mul3A_66, %sub3A_69 : vector<4x2048xi1>, vector<4x2048xf32>
    %reduce_sum3A_71 = arith.constant dense<0.000000e+00> : vector<2048xf32>
    %reduce_sum3A_72 = vector.multi_reduction <add>, %select_n3A_70, %reduce_sum3A_71 [0] : vector<4x2048xf32> to vector<2048xf32>
    %broadcast_in_dim3A_73 = vector.shape_cast %reduce_sum3A_72 : vector<2048xf32> to vector<1x2048xf32>
    %jit3A_74 = arith.constant 1.000000e+00 : f32
    %jit3A_75 = arith.constant 0.000000e+00 : f32
    %broadcast_in_dim3A_76 = vector.broadcast %jit3A_74 : f32 to vector<1x2048xf32>
    %broadcast_in_dim3A_77 = vector.broadcast %jit3A_75 : f32 to vector<1x2048xf32>
    %select_n3A_78 = arith.select %gt3A_31, %broadcast_in_dim3A_76, %broadcast_in_dim3A_77 : vector<1x2048xi1>, vector<1x2048xf32>
    %reduce_sum3A_79 = vector.shape_cast %select_n3A_78 : vector<1x2048xf32> to vector<1x1x2048xf32>
    %reduce_sum3A_80 = arith.constant dense<0.000000e+00> : vector<1xf32>
    %reduce_sum3A_81 = vector.multi_reduction <add>, %reduce_sum3A_79, %reduce_sum3A_80 [1, 2] : vector<1x1x2048xf32> to vector<1xf32>
    %reduce_sum3A_82 = vector.shape_cast %reduce_sum3A_81 : vector<1xf32> to vector<1x1x1xf32>
    %reduce_sum3A_83 = vector.extract %reduce_sum3A_82[0, 0, 0] : f32 from vector<1x1x1xf32>
    %add3A_84 = arith.constant 0.000000e+00 : f32
    %add3A_85 = arith.addf %add3A_84, %reduce_sum3A_83 : f32
    %mul3A_86 = arith.mulf %sub3A, %select_n3A_78 : vector<1x2048xf32>
    %reduce_sum3A_87 = vector.shape_cast %mul3A_86 : vector<1x2048xf32> to vector<1x1x2048xf32>
    %reduce_sum3A_88 = arith.constant dense<0.000000e+00> : vector<1xf32>
    %reduce_sum3A_89 = vector.multi_reduction <add>, %reduce_sum3A_87, %reduce_sum3A_88 [1, 2] : vector<1x1x2048xf32> to vector<1xf32>
    %reduce_sum3A_90 = vector.shape_cast %reduce_sum3A_89 : vector<1xf32> to vector<1x1x1xf32>
    %reduce_sum3A_91 = vector.extract %reduce_sum3A_90[0, 0, 0] : f32 from vector<1x1x1xf32>
    %add3A_92 = arith.constant 0.000000e+00 : f32
    %add3A_93 = arith.addf %add3A_92, %reduce_sum3A_91 : f32
    %mul3A_94 = arith.mulf %broadcast_in_dim3A_73, %select_n3A_78 : vector<1x2048xf32>
    %reduce_sum3A_95 = vector.shape_cast %mul3A_94 : vector<1x2048xf32> to vector<1x1x2048xf32>
    %reduce_sum3A_96 = arith.constant dense<0.000000e+00> : vector<1xf32>
    %reduce_sum3A_97 = vector.multi_reduction <add>, %reduce_sum3A_95, %reduce_sum3A_96 [1, 2] : vector<1x1x2048xf32> to vector<1xf32>
    %reduce_sum3A_98 = vector.shape_cast %reduce_sum3A_97 : vector<1xf32> to vector<1x1x1xf32>
    %reduce_sum3A_99 = vector.extract %reduce_sum3A_98[0, 0, 0] : f32 from vector<1x1x1xf32>
    %add3A_100 = arith.constant 0.000000e+00 : f32
    %add3A_101 = arith.addf %add3A_100, %reduce_sum3A_99 : f32
    %get3A_102 = arith.constant 0 : index
    %get3A_103 = arith.constant 2048 : index
    %get3A_104 = arith.constant 0 : index
    %get3A_105 = vector.load %arg1[%get3A_102, %get3A_103, %get3A_104] : memref<1x8732x81xf32, #tpu.memory_space<vmem>>, vector<1x2048x81xf32>
    %get3A_106 = vector.shape_cast %get3A_105 : vector<1x2048x81xf32> to vector<2048x81xf32>
    %dot_general3A_107 = arith.constant dense<0.000000e+00> : vector<81x2048xf32>
    %dot_general3A_108 = tpu.matmul %convert_element_type3A_3, %get3A_106, %dot_general3A_107 {dimension_numbers = #tpu.dot_dimension_numbers<[1], [1], [0], [0], [0, 0, 1, 0], [], []>, transpose_lhs_hint = false} : vector<81x81xf32>, vector<2048x81xf32>, vector<81x2048xf32> -> vector<81x2048xf32>
    %get3A_109 = arith.constant 0 : index
    %get3A_110 = arith.constant 0 : index
    %get3A_111 = arith.constant 2048 : index
    %get3A_112 = vector.load %arg2[%get3A_109, %get3A_110, %get3A_111] : memref<1x1x8732xi32, #tpu.memory_space<vmem>>, vector<1x1x2048xi32>
    %get3A_113 = vector.shape_cast %get3A_112 : vector<1x1x2048xi32> to vector<1x2048xi32>
    %exp3A_114 = math.exp %dot_general3A_108 : vector<81x2048xf32>
    %reduce_sum3A_115 = arith.constant dense<0.000000e+00> : vector<2048xf32>
    %reduce_sum3A_116 = vector.multi_reduction <add>, %exp3A_114, %reduce_sum3A_115 [0] : vector<81x2048xf32> to vector<2048xf32>
    %broadcast_in_dim3A_117 = vector.shape_cast %reduce_sum3A_116 : vector<2048xf32> to vector<1x2048xf32>
    %iota3A_118 = tpu.iota {dimensions = array<i32: 0>} : vector<81x2048xi32>
    %eq3A_119 = vector.broadcast %get3A_113 : vector<1x2048xi32> to vector<81x2048xi32>
    %eq3A_120 = arith.cmpi eq, %iota3A_118, %eq3A_119 : vector<81x2048xi32>
    %jit3A_121 = arith.constant 0.000000e+00 : f32
    %broadcast_in_dim3A_122 = vector.broadcast %jit3A_121 : f32 to vector<81x2048xf32>
    %select_n3A_123 = arith.select %eq3A_120, %dot_general3A_108, %broadcast_in_dim3A_122 : vector<81x2048xi1>, vector<81x2048xf32>
    %reduce_sum3A_124 = arith.constant dense<0.000000e+00> : vector<2048xf32>
    %reduce_sum3A_125 = vector.multi_reduction <add>, %select_n3A_123, %reduce_sum3A_124 [0] : vector<81x2048xf32> to vector<2048xf32>
    %broadcast_in_dim3A_126 = vector.shape_cast %reduce_sum3A_125 : vector<2048xf32> to vector<1x2048xf32>
    %log3A_127 = math.log %broadcast_in_dim3A_117 : vector<1x2048xf32>
    %sub3A_128 = arith.subf %log3A_127, %broadcast_in_dim3A_126 : vector<1x2048xf32>
    %gt3A_129 = arith.constant 0 : i32
    %gt3A_130 = vector.broadcast %gt3A_129 : i32 to vector<1x2048xi32>
    %gt3A_131 = arith.cmpi sgt, %get3A_113, %gt3A_130 : vector<1x2048xi32>
    %slice3A_132 = vector.extract_strided_slice %dot_general3A_108 {offsets = [0, 0], sizes = [1, 2048], strides = [1, 1]} : vector<81x2048xf32> to vector<1x2048xf32>
    %sub3A_133 = arith.subf %log3A_127, %slice3A_132 : vector<1x2048xf32>
    %jit3A_134 = arith.constant -1.000000e+00 : f32
    %broadcast_in_dim3A_135 = vector.broadcast %jit3A_134 : f32 to vector<1x2048xf32>
    %select_n3A_136 = arith.select %gt3A_131, %broadcast_in_dim3A_135, %sub3A_133 : vector<1x2048xi1>, vector<1x2048xf32>
    %swap3A_137 = arith.constant 0 : index
    %swap3A_138 = arith.constant 0 : index
    %swap3A_139 = arith.constant 2048 : index
    %swap3A_140 = vector.load %arg5[%swap3A_137, %swap3A_138, %swap3A_139] : memref<1x1x8736xf32, #tpu.memory_space<vmem>>, vector<1x1x2048xf32>
    %swap3A_141 = vector.shape_cast %swap3A_140 : vector<1x1x2048xf32> to vector<1x2048xf32>
    %swap3A_142 = vector.shape_cast %select_n3A_136 : vector<1x2048xf32> to vector<1x1x2048xf32>
    tpu.vector_store %arg5[%swap3A_137, %swap3A_138, %swap3A_139], %swap3A_142 {strides = array<i32>} : memref<1x1x8736xf32, #tpu.memory_space<vmem>>, vector<1x1x2048xf32>,
    %swap3A_143 = arith.constant 0 : index
    %swap3A_144 = arith.constant 0 : index
    %swap3A_145 = arith.constant 2048 : index
    %swap3A_146 = vector.load %arg6[%swap3A_143, %swap3A_144, %swap3A_145] : memref<1x1x8736xf32, #tpu.memory_space<vmem>>, vector<1x1x2048xf32>
    %swap3A_147 = vector.shape_cast %swap3A_146 : vector<1x1x2048xf32> to vector<1x2048xf32>
    %swap3A_148 = vector.shape_cast %sub3A_128 : vector<1x2048xf32> to vector<1x1x2048xf32>
    tpu.vector_store %arg6[%swap3A_143, %swap3A_144, %swap3A_145], %swap3A_148 {strides = array<i32>} : memref<1x1x8736xf32, #tpu.memory_space<vmem>>, vector<1x1x2048xf32>,
    %get3A_149 = arith.constant 0 : index
    %get3A_150 = arith.constant 2048 : index
    %get3A_151 = arith.constant 0 : index
    %get3A_152 = vector.load %arg3[%get3A_149, %get3A_150, %get3A_151] : memref<1x8732x4xf32, #tpu.memory_space<vmem>>, vector<1x2048x4xf32>
    %get3A_153 = vector.shape_cast %get3A_152 : vector<1x2048x4xf32> to vector<2048x4xf32>
    %dot_general3A_154 = arith.constant dense<0.000000e+00> : vector<4x2048xf32>
    %dot_general3A_155 = tpu.matmul %convert_element_type3A_11, %get3A_153, %dot_general3A_154 {dimension_numbers = #tpu.dot_dimension_numbers<[1], [1], [0], [0], [0, 0, 1, 0], [], []>, transpose_lhs_hint = false} : vector<4x4xf32>, vector<2048x4xf32>, vector<4x2048xf32> -> vector<4x2048xf32>
    %get3A_156 = arith.constant 0 : index
    %get3A_157 = arith.constant 2048 : index
    %get3A_158 = arith.constant 0 : index
    %get3A_159 = vector.load %arg4[%get3A_156, %get3A_157, %get3A_158] : memref<1x8732x4xf32, #tpu.memory_space<vmem>>, vector<1x2048x4xf32>
    %get3A_160 = vector.shape_cast %get3A_159 : vector<1x2048x4xf32> to vector<2048x4xf32>
    %dot_general3A_161 = arith.constant dense<0.000000e+00> : vector<4x2048xf32>
    %dot_general3A_162 = tpu.matmul %convert_element_type3A_11, %get3A_160, %dot_general3A_161 {dimension_numbers = #tpu.dot_dimension_numbers<[1], [1], [0], [0], [0, 0, 1, 0], [], []>, transpose_lhs_hint = false} : vector<4x4xf32>, vector<2048x4xf32>, vector<4x2048xf32> -> vector<4x2048xf32>
    %sub3A_163 = arith.subf %dot_general3A_155, %dot_general3A_162 : vector<4x2048xf32>
    %abs3A_164 = math.absf %sub3A_163 : vector<4x2048xf32>
    %lt3A_165 = arith.constant 1.000000e+00 : f32
    %lt3A_166 = vector.broadcast %lt3A_165 : f32 to vector<4x2048xf32>
    %lt3A_167 = arith.cmpf olt, %abs3A_164, %lt3A_166 : vector<4x2048xf32>
    %mul3A_168 = arith.constant 5.000000e-01 : f32
    %mul3A_169 = vector.broadcast %mul3A_168 : f32 to vector<4x2048xf32>
    %mul3A_170 = arith.mulf %mul3A_169, %sub3A_163 : vector<4x2048xf32>
    %mul3A_171 = arith.mulf %mul3A_170, %sub3A_163 : vector<4x2048xf32>
    %sub3A_172 = arith.constant 5.000000e-01 : f32
    %sub3A_173 = vector.broadcast %sub3A_172 : f32 to vector<4x2048xf32>
    %sub3A_174 = arith.subf %abs3A_164, %sub3A_173 : vector<4x2048xf32>
    %select_n3A_175 = arith.select %lt3A_167, %mul3A_171, %sub3A_174 : vector<4x2048xi1>, vector<4x2048xf32>
    %reduce_sum3A_176 = arith.constant dense<0.000000e+00> : vector<2048xf32>
    %reduce_sum3A_177 = vector.multi_reduction <add>, %select_n3A_175, %reduce_sum3A_176 [0] : vector<4x2048xf32> to vector<2048xf32>
    %broadcast_in_dim3A_178 = vector.shape_cast %reduce_sum3A_177 : vector<2048xf32> to vector<1x2048xf32>
    %jit3A_179 = arith.constant 1.000000e+00 : f32
    %jit3A_180 = arith.constant 0.000000e+00 : f32
    %broadcast_in_dim3A_181 = vector.broadcast %jit3A_179 : f32 to vector<1x2048xf32>
    %broadcast_in_dim3A_182 = vector.broadcast %jit3A_180 : f32 to vector<1x2048xf32>
    %select_n3A_183 = arith.select %gt3A_131, %broadcast_in_dim3A_181, %broadcast_in_dim3A_182 : vector<1x2048xi1>, vector<1x2048xf32>
    %reduce_sum3A_184 = vector.shape_cast %select_n3A_183 : vector<1x2048xf32> to vector<1x1x2048xf32>
    %reduce_sum3A_185 = arith.constant dense<0.000000e+00> : vector<1xf32>
    %reduce_sum3A_186 = vector.multi_reduction <add>, %reduce_sum3A_184, %reduce_sum3A_185 [1, 2] : vector<1x1x2048xf32> to vector<1xf32>
    %reduce_sum3A_187 = vector.shape_cast %reduce_sum3A_186 : vector<1xf32> to vector<1x1x1xf32>
    %reduce_sum3A_188 = vector.extract %reduce_sum3A_187[0, 0, 0] : f32 from vector<1x1x1xf32>
    %add3A_189 = arith.addf %add3A_85, %reduce_sum3A_188 : f32
    %mul3A_190 = arith.mulf %sub3A_128, %select_n3A_183 : vector<1x2048xf32>
    %reduce_sum3A_191 = vector.shape_cast %mul3A_190 : vector<1x2048xf32> to vector<1x1x2048xf32>
    %reduce_sum3A_192 = arith.constant dense<0.000000e+00> : vector<1xf32>
    %reduce_sum3A_193 = vector.multi_reduction <add>, %reduce_sum3A_191, %reduce_sum3A_192 [1, 2] : vector<1x1x2048xf32> to vector<1xf32>
    %reduce_sum3A_194 = vector.shape_cast %reduce_sum3A_193 : vector<1xf32> to vector<1x1x1xf32>
    %reduce_sum3A_195 = vector.extract %reduce_sum3A_194[0, 0, 0] : f32 from vector<1x1x1xf32>
    %add3A_196 = arith.addf %add3A_93, %reduce_sum3A_195 : f32
    %mul3A_197 = arith.mulf %broadcast_in_dim3A_178, %select_n3A_183 : vector<1x2048xf32>
    %reduce_sum3A_198 = vector.shape_cast %mul3A_197 : vector<1x2048xf32> to vector<1x1x2048xf32>
    %reduce_sum3A_199 = arith.constant dense<0.000000e+00> : vector<1xf32>
    %reduce_sum3A_200 = vector.multi_reduction <add>, %reduce_sum3A_198, %reduce_sum3A_199 [1, 2] : vector<1x1x2048xf32> to vector<1xf32>
    %reduce_sum3A_201 = vector.shape_cast %reduce_sum3A_200 : vector<1xf32> to vector<1x1x1xf32>
    %reduce_sum3A_202 = vector.extract %reduce_sum3A_201[0, 0, 0] : f32 from vector<1x1x1xf32>
    %add3A_203 = arith.addf %add3A_101, %reduce_sum3A_202 : f32
    %get3A_204 = arith.constant 0 : index
    %get3A_205 = arith.constant 4096 : index
    %get3A_206 = arith.constant 0 : index
    %get3A_207 = vector.load %arg1[%get3A_204, %get3A_205, %get3A_206] : memref<1x8732x81xf32, #tpu.memory_space<vmem>>, vector<1x2048x81xf32>
    %get3A_208 = vector.shape_cast %get3A_207 : vector<1x2048x81xf32> to vector<2048x81xf32>
    %dot_general3A_209 = arith.constant dense<0.000000e+00> : vector<81x2048xf32>
    %dot_general3A_210 = tpu.matmul %convert_element_type3A_3, %get3A_208, %dot_general3A_209 {dimension_numbers = #tpu.dot_dimension_numbers<[1], [1], [0], [0], [0, 0, 1, 0], [], []>, transpose_lhs_hint = false} : vector<81x81xf32>, vector<2048x81xf32>, vector<81x2048xf32> -> vector<81x2048xf32>
    %get3A_211 = arith.constant 0 : index
    %get3A_212 = arith.constant 0 : index
    %get3A_213 = arith.constant 4096 : index
    %get3A_214 = vector.load %arg2[%get3A_211, %get3A_212, %get3A_213] : memref<1x1x8732xi32, #tpu.memory_space<vmem>>, vector<1x1x2048xi32>
    %get3A_215 = vector.shape_cast %get3A_214 : vector<1x1x2048xi32> to vector<1x2048xi32>
    %exp3A_216 = math.exp %dot_general3A_210 : vector<81x2048xf32>
    %reduce_sum3A_217 = arith.constant dense<0.000000e+00> : vector<2048xf32>
    %reduce_sum3A_218 = vector.multi_reduction <add>, %exp3A_216, %reduce_sum3A_217 [0] : vector<81x2048xf32> to vector<2048xf32>
    %broadcast_in_dim3A_219 = vector.shape_cast %reduce_sum3A_218 : vector<2048xf32> to vector<1x2048xf32>
    %iota3A_220 = tpu.iota {dimensions = array<i32: 0>} : vector<81x2048xi32>
    %eq3A_221 = vector.broadcast %get3A_215 : vector<1x2048xi32> to vector<81x2048xi32>
    %eq3A_222 = arith.cmpi eq, %iota3A_220, %eq3A_221 : vector<81x2048xi32>
    %jit3A_223 = arith.constant 0.000000e+00 : f32
    %broadcast_in_dim3A_224 = vector.broadcast %jit3A_223 : f32 to vector<81x2048xf32>
    %select_n3A_225 = arith.select %eq3A_222, %dot_general3A_210, %broadcast_in_dim3A_224 : vector<81x2048xi1>, vector<81x2048xf32>
    %reduce_sum3A_226 = arith.constant dense<0.000000e+00> : vector<2048xf32>
    %reduce_sum3A_227 = vector.multi_reduction <add>, %select_n3A_225, %reduce_sum3A_226 [0] : vector<81x2048xf32> to vector<2048xf32>
    %broadcast_in_dim3A_228 = vector.shape_cast %reduce_sum3A_227 : vector<2048xf32> to vector<1x2048xf32>
    %log3A_229 = math.log %broadcast_in_dim3A_219 : vector<1x2048xf32>
    %sub3A_230 = arith.subf %log3A_229, %broadcast_in_dim3A_228 : vector<1x2048xf32>
    %gt3A_231 = arith.constant 0 : i32
    %gt3A_232 = vector.broadcast %gt3A_231 : i32 to vector<1x2048xi32>
    %gt3A_233 = arith.cmpi sgt, %get3A_215, %gt3A_232 : vector<1x2048xi32>
    %slice3A_234 = vector.extract_strided_slice %dot_general3A_210 {offsets = [0, 0], sizes = [1, 2048], strides = [1, 1]} : vector<81x2048xf32> to vector<1x2048xf32>
    %sub3A_235 = arith.subf %log3A_229, %slice3A_234 : vector<1x2048xf32>
    %jit3A_236 = arith.constant -1.000000e+00 : f32
    %broadcast_in_dim3A_237 = vector.broadcast %jit3A_236 : f32 to vector<1x2048xf32>
    %select_n3A_238 = arith.select %gt3A_233, %broadcast_in_dim3A_237, %sub3A_235 : vector<1x2048xi1>, vector<1x2048xf32>
    %swap3A_239 = arith.constant 0 : index
    %swap3A_240 = arith.constant 0 : index
    %swap3A_241 = arith.constant 4096 : index
    %swap3A_242 = vector.load %arg5[%swap3A_239, %swap3A_240, %swap3A_241] : memref<1x1x8736xf32, #tpu.memory_space<vmem>>, vector<1x1x2048xf32>
    %swap3A_243 = vector.shape_cast %swap3A_242 : vector<1x1x2048xf32> to vector<1x2048xf32>
    %swap3A_244 = vector.shape_cast %select_n3A_238 : vector<1x2048xf32> to vector<1x1x2048xf32>
    tpu.vector_store %arg5[%swap3A_239, %swap3A_240, %swap3A_241], %swap3A_244 {strides = array<i32>} : memref<1x1x8736xf32, #tpu.memory_space<vmem>>, vector<1x1x2048xf32>,
    %swap3A_245 = arith.constant 0 : index
    %swap3A_246 = arith.constant 0 : index
    %swap3A_247 = arith.constant 4096 : index
    %swap3A_248 = vector.load %arg6[%swap3A_245, %swap3A_246, %swap3A_247] : memref<1x1x8736xf32, #tpu.memory_space<vmem>>, vector<1x1x2048xf32>
    %swap3A_249 = vector.shape_cast %swap3A_248 : vector<1x1x2048xf32> to vector<1x2048xf32>
    %swap3A_250 = vector.shape_cast %sub3A_230 : vector<1x2048xf32> to vector<1x1x2048xf32>
    tpu.vector_store %arg6[%swap3A_245, %swap3A_246, %swap3A_247], %swap3A_250 {strides = array<i32>} : memref<1x1x8736xf32, #tpu.memory_space<vmem>>, vector<1x1x2048xf32>,
    %get3A_251 = arith.constant 0 : index
    %get3A_252 = arith.constant 4096 : index
    %get3A_253 = arith.constant 0 : index
    %get3A_254 = vector.load %arg3[%get3A_251, %get3A_252, %get3A_253] : memref<1x8732x4xf32, #tpu.memory_space<vmem>>, vector<1x2048x4xf32>
    %get3A_255 = vector.shape_cast %get3A_254 : vector<1x2048x4xf32> to vector<2048x4xf32>
    %dot_general3A_256 = arith.constant dense<0.000000e+00> : vector<4x2048xf32>
    %dot_general3A_257 = tpu.matmul %convert_element_type3A_11, %get3A_255, %dot_general3A_256 {dimension_numbers = #tpu.dot_dimension_numbers<[1], [1], [0], [0], [0, 0, 1, 0], [], []>, transpose_lhs_hint = false} : vector<4x4xf32>, vector<2048x4xf32>, vector<4x2048xf32> -> vector<4x2048xf32>
    %get3A_258 = arith.constant 0 : index
    %get3A_259 = arith.constant 4096 : index
    %get3A_260 = arith.constant 0 : index
    %get3A_261 = vector.load %arg4[%get3A_258, %get3A_259, %get3A_260] : memref<1x8732x4xf32, #tpu.memory_space<vmem>>, vector<1x2048x4xf32>
    %get3A_262 = vector.shape_cast %get3A_261 : vector<1x2048x4xf32> to vector<2048x4xf32>
    %dot_general3A_263 = arith.constant dense<0.000000e+00> : vector<4x2048xf32>
    %dot_general3A_264 = tpu.matmul %convert_element_type3A_11, %get3A_262, %dot_general3A_263 {dimension_numbers = #tpu.dot_dimension_numbers<[1], [1], [0], [0], [0, 0, 1, 0], [], []>, transpose_lhs_hint = false} : vector<4x4xf32>, vector<2048x4xf32>, vector<4x2048xf32> -> vector<4x2048xf32>
    %sub3A_265 = arith.subf %dot_general3A_257, %dot_general3A_264 : vector<4x2048xf32>
    %abs3A_266 = math.absf %sub3A_265 : vector<4x2048xf32>
    %lt3A_267 = arith.constant 1.000000e+00 : f32
    %lt3A_268 = vector.broadcast %lt3A_267 : f32 to vector<4x2048xf32>
    %lt3A_269 = arith.cmpf olt, %abs3A_266, %lt3A_268 : vector<4x2048xf32>
    %mul3A_270 = arith.constant 5.000000e-01 : f32
    %mul3A_271 = vector.broadcast %mul3A_270 : f32 to vector<4x2048xf32>
    %mul3A_272 = arith.mulf %mul3A_271, %sub3A_265 : vector<4x2048xf32>
    %mul3A_273 = arith.mulf %mul3A_272, %sub3A_265 : vector<4x2048xf32>
    %sub3A_274 = arith.constant 5.000000e-01 : f32
    %sub3A_275 = vector.broadcast %sub3A_274 : f32 to vector<4x2048xf32>
    %sub3A_276 = arith.subf %abs3A_266, %sub3A_275 : vector<4x2048xf32>
    %select_n3A_277 = arith.select %lt3A_269, %mul3A_273, %sub3A_276 : vector<4x2048xi1>, vector<4x2048xf32>
    %reduce_sum3A_278 = arith.constant dense<0.000000e+00> : vector<2048xf32>
    %reduce_sum3A_279 = vector.multi_reduction <add>, %select_n3A_277, %reduce_sum3A_278 [0] : vector<4x2048xf32> to vector<2048xf32>
    %broadcast_in_dim3A_280 = vector.shape_cast %reduce_sum3A_279 : vector<2048xf32> to vector<1x2048xf32>
    %jit3A_281 = arith.constant 1.000000e+00 : f32
    %jit3A_282 = arith.constant 0.000000e+00 : f32
    %broadcast_in_dim3A_283 = vector.broadcast %jit3A_281 : f32 to vector<1x2048xf32>
    %broadcast_in_dim3A_284 = vector.broadcast %jit3A_282 : f32 to vector<1x2048xf32>
    %select_n3A_285 = arith.select %gt3A_233, %broadcast_in_dim3A_283, %broadcast_in_dim3A_284 : vector<1x2048xi1>, vector<1x2048xf32>
    %reduce_sum3A_286 = vector.shape_cast %select_n3A_285 : vector<1x2048xf32> to vector<1x1x2048xf32>
    %reduce_sum3A_287 = arith.constant dense<0.000000e+00> : vector<1xf32>
    %reduce_sum3A_288 = vector.multi_reduction <add>, %reduce_sum3A_286, %reduce_sum3A_287 [1, 2] : vector<1x1x2048xf32> to vector<1xf32>
    %reduce_sum3A_289 = vector.shape_cast %reduce_sum3A_288 : vector<1xf32> to vector<1x1x1xf32>
    %reduce_sum3A_290 = vector.extract %reduce_sum3A_289[0, 0, 0] : f32 from vector<1x1x1xf32>
    %add3A_291 = arith.addf %add3A_189, %reduce_sum3A_290 : f32
    %mul3A_292 = arith.mulf %sub3A_230, %select_n3A_285 : vector<1x2048xf32>
    %reduce_sum3A_293 = vector.shape_cast %mul3A_292 : vector<1x2048xf32> to vector<1x1x2048xf32>
    %reduce_sum3A_294 = arith.constant dense<0.000000e+00> : vector<1xf32>
    %reduce_sum3A_295 = vector.multi_reduction <add>, %reduce_sum3A_293, %reduce_sum3A_294 [1, 2] : vector<1x1x2048xf32> to vector<1xf32>
    %reduce_sum3A_296 = vector.shape_cast %reduce_sum3A_295 : vector<1xf32> to vector<1x1x1xf32>
    %reduce_sum3A_297 = vector.extract %reduce_sum3A_296[0, 0, 0] : f32 from vector<1x1x1xf32>
    %add3A_298 = arith.addf %add3A_196, %reduce_sum3A_297 : f32
    %mul3A_299 = arith.mulf %broadcast_in_dim3A_280, %select_n3A_285 : vector<1x2048xf32>
    %reduce_sum3A_300 = vector.shape_cast %mul3A_299 : vector<1x2048xf32> to vector<1x1x2048xf32>
    %reduce_sum3A_301 = arith.constant dense<0.000000e+00> : vector<1xf32>
    %reduce_sum3A_302 = vector.multi_reduction <add>, %reduce_sum3A_300, %reduce_sum3A_301 [1, 2] : vector<1x1x2048xf32> to vector<1xf32>
    %reduce_sum3A_303 = vector.shape_cast %reduce_sum3A_302 : vector<1xf32> to vector<1x1x1xf32>
    %reduce_sum3A_304 = vector.extract %reduce_sum3A_303[0, 0, 0] : f32 from vector<1x1x1xf32>
    %add3A_305 = arith.addf %add3A_203, %reduce_sum3A_304 : f32
    %get3A_306 = arith.constant 0 : index
    %get3A_307 = arith.constant 6144 : index
    %get3A_308 = arith.constant 0 : index
    %get3A_309 = vector.load %arg1[%get3A_306, %get3A_307, %get3A_308] : memref<1x8732x81xf32, #tpu.memory_space<vmem>>, vector<1x2048x81xf32>
    %get3A_310 = vector.shape_cast %get3A_309 : vector<1x2048x81xf32> to vector<2048x81xf32>
    %dot_general3A_311 = arith.constant dense<0.000000e+00> : vector<81x2048xf32>
    %dot_general3A_312 = tpu.matmul %convert_element_type3A_3, %get3A_310, %dot_general3A_311 {dimension_numbers = #tpu.dot_dimension_numbers<[1], [1], [0], [0], [0, 0, 1, 0], [], []>, transpose_lhs_hint = false} : vector<81x81xf32>, vector<2048x81xf32>, vector<81x2048xf32> -> vector<81x2048xf32>
    %get3A_313 = arith.constant 0 : index
    %get3A_314 = arith.constant 0 : index
    %get3A_315 = arith.constant 6144 : index
    %get3A_316 = vector.load %arg2[%get3A_313, %get3A_314, %get3A_315] : memref<1x1x8732xi32, #tpu.memory_space<vmem>>, vector<1x1x2048xi32>
    %get3A_317 = vector.shape_cast %get3A_316 : vector<1x1x2048xi32> to vector<1x2048xi32>
    %exp3A_318 = math.exp %dot_general3A_312 : vector<81x2048xf32>
    %reduce_sum3A_319 = arith.constant dense<0.000000e+00> : vector<2048xf32>
    %reduce_sum3A_320 = vector.multi_reduction <add>, %exp3A_318, %reduce_sum3A_319 [0] : vector<81x2048xf32> to vector<2048xf32>
    %broadcast_in_dim3A_321 = vector.shape_cast %reduce_sum3A_320 : vector<2048xf32> to vector<1x2048xf32>
    %iota3A_322 = tpu.iota {dimensions = array<i32: 0>} : vector<81x2048xi32>
    %eq3A_323 = vector.broadcast %get3A_317 : vector<1x2048xi32> to vector<81x2048xi32>
    %eq3A_324 = arith.cmpi eq, %iota3A_322, %eq3A_323 : vector<81x2048xi32>
    %jit3A_325 = arith.constant 0.000000e+00 : f32
    %broadcast_in_dim3A_326 = vector.broadcast %jit3A_325 : f32 to vector<81x2048xf32>
    %select_n3A_327 = arith.select %eq3A_324, %dot_general3A_312, %broadcast_in_dim3A_326 : vector<81x2048xi1>, vector<81x2048xf32>
    %reduce_sum3A_328 = arith.constant dense<0.000000e+00> : vector<2048xf32>
    %reduce_sum3A_329 = vector.multi_reduction <add>, %select_n3A_327, %reduce_sum3A_328 [0] : vector<81x2048xf32> to vector<2048xf32>
    %broadcast_in_dim3A_330 = vector.shape_cast %reduce_sum3A_329 : vector<2048xf32> to vector<1x2048xf32>
    %log3A_331 = math.log %broadcast_in_dim3A_321 : vector<1x2048xf32>
    %sub3A_332 = arith.subf %log3A_331, %broadcast_in_dim3A_330 : vector<1x2048xf32>
    %gt3A_333 = arith.constant 0 : i32
    %gt3A_334 = vector.broadcast %gt3A_333 : i32 to vector<1x2048xi32>
    %gt3A_335 = arith.cmpi sgt, %get3A_317, %gt3A_334 : vector<1x2048xi32>
    %slice3A_336 = vector.extract_strided_slice %dot_general3A_312 {offsets = [0, 0], sizes = [1, 2048], strides = [1, 1]} : vector<81x2048xf32> to vector<1x2048xf32>
    %sub3A_337 = arith.subf %log3A_331, %slice3A_336 : vector<1x2048xf32>
    %jit3A_338 = arith.constant -1.000000e+00 : f32
    %broadcast_in_dim3A_339 = vector.broadcast %jit3A_338 : f32 to vector<1x2048xf32>
    %select_n3A_340 = arith.select %gt3A_335, %broadcast_in_dim3A_339, %sub3A_337 : vector<1x2048xi1>, vector<1x2048xf32>
    %swap3A_341 = arith.constant 0 : index
    %swap3A_342 = arith.constant 0 : index
    %swap3A_343 = arith.constant 6144 : index
    %swap3A_344 = vector.load %arg5[%swap3A_341, %swap3A_342, %swap3A_343] : memref<1x1x8736xf32, #tpu.memory_space<vmem>>, vector<1x1x2048xf32>
    %swap3A_345 = vector.shape_cast %swap3A_344 : vector<1x1x2048xf32> to vector<1x2048xf32>
    %swap3A_346 = vector.shape_cast %select_n3A_340 : vector<1x2048xf32> to vector<1x1x2048xf32>
    tpu.vector_store %arg5[%swap3A_341, %swap3A_342, %swap3A_343], %swap3A_346 {strides = array<i32>} : memref<1x1x8736xf32, #tpu.memory_space<vmem>>, vector<1x1x2048xf32>,
    %swap3A_347 = arith.constant 0 : index
    %swap3A_348 = arith.constant 0 : index
    %swap3A_349 = arith.constant 6144 : index
    %swap3A_350 = vector.load %arg6[%swap3A_347, %swap3A_348, %swap3A_349] : memref<1x1x8736xf32, #tpu.memory_space<vmem>>, vector<1x1x2048xf32>
    %swap3A_351 = vector.shape_cast %swap3A_350 : vector<1x1x2048xf32> to vector<1x2048xf32>
    %swap3A_352 = vector.shape_cast %sub3A_332 : vector<1x2048xf32> to vector<1x1x2048xf32>
    tpu.vector_store %arg6[%swap3A_347, %swap3A_348, %swap3A_349], %swap3A_352 {strides = array<i32>} : memref<1x1x8736xf32, #tpu.memory_space<vmem>>, vector<1x1x2048xf32>,
    %get3A_353 = arith.constant 0 : index
    %get3A_354 = arith.constant 6144 : index
    %get3A_355 = arith.constant 0 : index
    %get3A_356 = vector.load %arg3[%get3A_353, %get3A_354, %get3A_355] : memref<1x8732x4xf32, #tpu.memory_space<vmem>>, vector<1x2048x4xf32>
    %get3A_357 = vector.shape_cast %get3A_356 : vector<1x2048x4xf32> to vector<2048x4xf32>
    %dot_general3A_358 = arith.constant dense<0.000000e+00> : vector<4x2048xf32>
    %dot_general3A_359 = tpu.matmul %convert_element_type3A_11, %get3A_357, %dot_general3A_358 {dimension_numbers = #tpu.dot_dimension_numbers<[1], [1], [0], [0], [0, 0, 1, 0], [], []>, transpose_lhs_hint = false} : vector<4x4xf32>, vector<2048x4xf32>, vector<4x2048xf32> -> vector<4x2048xf32>
    %get3A_360 = arith.constant 0 : index
    %get3A_361 = arith.constant 6144 : index
    %get3A_362 = arith.constant 0 : index
    %get3A_363 = vector.load %arg4[%get3A_360, %get3A_361, %get3A_362] : memref<1x8732x4xf32, #tpu.memory_space<vmem>>, vector<1x2048x4xf32>
    %get3A_364 = vector.shape_cast %get3A_363 : vector<1x2048x4xf32> to vector<2048x4xf32>
    %dot_general3A_365 = arith.constant dense<0.000000e+00> : vector<4x2048xf32>
    %dot_general3A_366 = tpu.matmul %convert_element_type3A_11, %get3A_364, %dot_general3A_365 {dimension_numbers = #tpu.dot_dimension_numbers<[1], [1], [0], [0], [0, 0, 1, 0], [], []>, transpose_lhs_hint = false} : vector<4x4xf32>, vector<2048x4xf32>, vector<4x2048xf32> -> vector<4x2048xf32>
    %sub3A_367 = arith.subf %dot_general3A_359, %dot_general3A_366 : vector<4x2048xf32>
    %abs3A_368 = math.absf %sub3A_367 : vector<4x2048xf32>
    %lt3A_369 = arith.constant 1.000000e+00 : f32
    %lt3A_370 = vector.broadcast %lt3A_369 : f32 to vector<4x2048xf32>
    %lt3A_371 = arith.cmpf olt, %abs3A_368, %lt3A_370 : vector<4x2048xf32>
    %mul3A_372 = arith.constant 5.000000e-01 : f32
    %mul3A_373 = vector.broadcast %mul3A_372 : f32 to vector<4x2048xf32>
    %mul3A_374 = arith.mulf %mul3A_373, %sub3A_367 : vector<4x2048xf32>
    %mul3A_375 = arith.mulf %mul3A_374, %sub3A_367 : vector<4x2048xf32>
    %sub3A_376 = arith.constant 5.000000e-01 : f32
    %sub3A_377 = vector.broadcast %sub3A_376 : f32 to vector<4x2048xf32>
    %sub3A_378 = arith.subf %abs3A_368, %sub3A_377 : vector<4x2048xf32>
    %select_n3A_379 = arith.select %lt3A_371, %mul3A_375, %sub3A_378 : vector<4x2048xi1>, vector<4x2048xf32>
    %reduce_sum3A_380 = arith.constant dense<0.000000e+00> : vector<2048xf32>
    %reduce_sum3A_381 = vector.multi_reduction <add>, %select_n3A_379, %reduce_sum3A_380 [0] : vector<4x2048xf32> to vector<2048xf32>
    %broadcast_in_dim3A_382 = vector.shape_cast %reduce_sum3A_381 : vector<2048xf32> to vector<1x2048xf32>
    %jit3A_383 = arith.constant 1.000000e+00 : f32
    %jit3A_384 = arith.constant 0.000000e+00 : f32
    %broadcast_in_dim3A_385 = vector.broadcast %jit3A_383 : f32 to vector<1x2048xf32>
    %broadcast_in_dim3A_386 = vector.broadcast %jit3A_384 : f32 to vector<1x2048xf32>
    %select_n3A_387 = arith.select %gt3A_335, %broadcast_in_dim3A_385, %broadcast_in_dim3A_386 : vector<1x2048xi1>, vector<1x2048xf32>
    %reduce_sum3A_388 = vector.shape_cast %select_n3A_387 : vector<1x2048xf32> to vector<1x1x2048xf32>
    %reduce_sum3A_389 = arith.constant dense<0.000000e+00> : vector<1xf32>
    %reduce_sum3A_390 = vector.multi_reduction <add>, %reduce_sum3A_388, %reduce_sum3A_389 [1, 2] : vector<1x1x2048xf32> to vector<1xf32>
    %reduce_sum3A_391 = vector.shape_cast %reduce_sum3A_390 : vector<1xf32> to vector<1x1x1xf32>
    %reduce_sum3A_392 = vector.extract %reduce_sum3A_391[0, 0, 0] : f32 from vector<1x1x1xf32>
    %add3A_393 = arith.addf %add3A_291, %reduce_sum3A_392 : f32
    %mul3A_394 = arith.mulf %sub3A_332, %select_n3A_387 : vector<1x2048xf32>
    %reduce_sum3A_395 = vector.shape_cast %mul3A_394 : vector<1x2048xf32> to vector<1x1x2048xf32>
    %reduce_sum3A_396 = arith.constant dense<0.000000e+00> : vector<1xf32>
    %reduce_sum3A_397 = vector.multi_reduction <add>, %reduce_sum3A_395, %reduce_sum3A_396 [1, 2] : vector<1x1x2048xf32> to vector<1xf32>
    %reduce_sum3A_398 = vector.shape_cast %reduce_sum3A_397 : vector<1xf32> to vector<1x1x1xf32>
    %reduce_sum3A_399 = vector.extract %reduce_sum3A_398[0, 0, 0] : f32 from vector<1x1x1xf32>
    %add3A_400 = arith.addf %add3A_298, %reduce_sum3A_399 : f32
    %mul3A_401 = arith.mulf %broadcast_in_dim3A_382, %select_n3A_387 : vector<1x2048xf32>
    %reduce_sum3A_402 = vector.shape_cast %mul3A_401 : vector<1x2048xf32> to vector<1x1x2048xf32>
    %reduce_sum3A_403 = arith.constant dense<0.000000e+00> : vector<1xf32>
    %reduce_sum3A_404 = vector.multi_reduction <add>, %reduce_sum3A_402, %reduce_sum3A_403 [1, 2] : vector<1x1x2048xf32> to vector<1xf32>
    %reduce_sum3A_405 = vector.shape_cast %reduce_sum3A_404 : vector<1xf32> to vector<1x1x1xf32>
    %reduce_sum3A_406 = vector.extract %reduce_sum3A_405[0, 0, 0] : f32 from vector<1x1x1xf32>
    %add3A_407 = arith.addf %add3A_305, %reduce_sum3A_406 : f32
    %get3A_408 = arith.constant 0 : index
    %get3A_409 = arith.constant 8192 : index
    %get3A_410 = arith.constant 0 : index
    %get3A_411 = vector.load %arg1[%get3A_408, %get3A_409, %get3A_410] : memref<1x8732x81xf32, #tpu.memory_space<vmem>>, vector<1x540x81xf32>
    %get3A_412 = vector.shape_cast %get3A_411 : vector<1x540x81xf32> to vector<540x81xf32>
    %dot_general3A_413 = arith.constant dense<0.000000e+00> : vector<81x540xf32>
    %dot_general3A_414 = tpu.matmul %convert_element_type3A_3, %get3A_412, %dot_general3A_413 {dimension_numbers = #tpu.dot_dimension_numbers<[1], [1], [0], [0], [0, 0, 1, 0], [], []>, transpose_lhs_hint = false} : vector<81x81xf32>, vector<540x81xf32>, vector<81x540xf32> -> vector<81x540xf32>
    %get3A_415 = arith.constant 0 : index
    %get3A_416 = arith.constant 0 : index
    %get3A_417 = arith.constant 8192 : index
    %get3A_418 = vector.load %arg2[%get3A_415, %get3A_416, %get3A_417] : memref<1x1x8732xi32, #tpu.memory_space<vmem>>, vector<1x1x540xi32>
    %get3A_419 = vector.shape_cast %get3A_418 : vector<1x1x540xi32> to vector<1x540xi32>
    %exp3A_420 = math.exp %dot_general3A_414 : vector<81x540xf32>
    %reduce_sum3A_421 = arith.constant dense<0.000000e+00> : vector<540xf32>
    %reduce_sum3A_422 = vector.multi_reduction <add>, %exp3A_420, %reduce_sum3A_421 [0] : vector<81x540xf32> to vector<540xf32>
    %broadcast_in_dim3A_423 = vector.shape_cast %reduce_sum3A_422 : vector<540xf32> to vector<1x540xf32>
    %iota3A_424 = tpu.iota {dimensions = array<i32: 0>} : vector<81x540xi32>
    %eq3A_425 = vector.broadcast %get3A_419 : vector<1x540xi32> to vector<81x540xi32>
    %eq3A_426 = arith.cmpi eq, %iota3A_424, %eq3A_425 : vector<81x540xi32>
    %jit3A_427 = arith.constant 0.000000e+00 : f32
    %broadcast_in_dim3A_428 = vector.broadcast %jit3A_427 : f32 to vector<81x540xf32>
    %select_n3A_429 = arith.select %eq3A_426, %dot_general3A_414, %broadcast_in_dim3A_428 : vector<81x540xi1>, vector<81x540xf32>
    %reduce_sum3A_430 = arith.constant dense<0.000000e+00> : vector<540xf32>
    %reduce_sum3A_431 = vector.multi_reduction <add>, %select_n3A_429, %reduce_sum3A_430 [0] : vector<81x540xf32> to vector<540xf32>
    %broadcast_in_dim3A_432 = vector.shape_cast %reduce_sum3A_431 : vector<540xf32> to vector<1x540xf32>
    %log3A_433 = math.log %broadcast_in_dim3A_423 : vector<1x540xf32>
    %sub3A_434 = arith.subf %log3A_433, %broadcast_in_dim3A_432 : vector<1x540xf32>
    %gt3A_435 = arith.constant 0 : i32
    %gt3A_436 = vector.broadcast %gt3A_435 : i32 to vector<1x540xi32>
    %gt3A_437 = arith.cmpi sgt, %get3A_419, %gt3A_436 : vector<1x540xi32>
    %slice3A_438 = vector.extract_strided_slice %dot_general3A_414 {offsets = [0, 0], sizes = [1, 540], strides = [1, 1]} : vector<81x540xf32> to vector<1x540xf32>
    %sub3A_439 = arith.subf %log3A_433, %slice3A_438 : vector<1x540xf32>
    %jit3A_440 = arith.constant -1.000000e+00 : f32
    %broadcast_in_dim3A_441 = vector.broadcast %jit3A_440 : f32 to vector<1x540xf32>
    %select_n3A_442 = arith.select %gt3A_437, %broadcast_in_dim3A_441, %sub3A_439 : vector<1x540xi1>, vector<1x540xf32>
    %swap3A_443 = arith.constant 0 : index
    %swap3A_444 = arith.constant 0 : index
    %swap3A_445 = arith.constant 8192 : index
    %swap3A_446 = vector.load %arg5[%swap3A_443, %swap3A_444, %swap3A_445] : memref<1x1x8736xf32, #tpu.memory_space<vmem>>, vector<1x1x540xf32>
    %swap3A_447 = vector.shape_cast %swap3A_446 : vector<1x1x540xf32> to vector<1x540xf32>
    %swap3A_448 = vector.shape_cast %select_n3A_442 : vector<1x540xf32> to vector<1x1x540xf32>
    tpu.vector_store %arg5[%swap3A_443, %swap3A_444, %swap3A_445], %swap3A_448 {strides = array<i32>} : memref<1x1x8736xf32, #tpu.memory_space<vmem>>, vector<1x1x540xf32>,
    %swap3A_449 = arith.constant 0 : index
    %swap3A_450 = arith.constant 0 : index
    %swap3A_451 = arith.constant 8192 : index
    %swap3A_452 = vector.load %arg6[%swap3A_449, %swap3A_450, %swap3A_451] : memref<1x1x8736xf32, #tpu.memory_space<vmem>>, vector<1x1x540xf32>
    %swap3A_453 = vector.shape_cast %swap3A_452 : vector<1x1x540xf32> to vector<1x540xf32>
    %swap3A_454 = vector.shape_cast %sub3A_434 : vector<1x540xf32> to vector<1x1x540xf32>
    tpu.vector_store %arg6[%swap3A_449, %swap3A_450, %swap3A_451], %swap3A_454 {strides = array<i32>} : memref<1x1x8736xf32, #tpu.memory_space<vmem>>, vector<1x1x540xf32>,
    %get3A_455 = arith.constant 0 : index
    %get3A_456 = arith.constant 8192 : index
    %get3A_457 = arith.constant 0 : index
    %get3A_458 = vector.load %arg3[%get3A_455, %get3A_456, %get3A_457] : memref<1x8732x4xf32, #tpu.memory_space<vmem>>, vector<1x540x4xf32>
    %get3A_459 = vector.shape_cast %get3A_458 : vector<1x540x4xf32> to vector<540x4xf32>
    %dot_general3A_460 = arith.constant dense<0.000000e+00> : vector<4x540xf32>
    %dot_general3A_461 = tpu.matmul %convert_element_type3A_11, %get3A_459, %dot_general3A_460 {dimension_numbers = #tpu.dot_dimension_numbers<[1], [1], [0], [0], [0, 0, 1, 0], [], []>, transpose_lhs_hint = false} : vector<4x4xf32>, vector<540x4xf32>, vector<4x540xf32> -> vector<4x540xf32>
    %get3A_462 = arith.constant 0 : index
    %get3A_463 = arith.constant 8192 : index
    %get3A_464 = arith.constant 0 : index
    %get3A_465 = vector.load %arg4[%get3A_462, %get3A_463, %get3A_464] : memref<1x8732x4xf32, #tpu.memory_space<vmem>>, vector<1x540x4xf32>
    %get3A_466 = vector.shape_cast %get3A_465 : vector<1x540x4xf32> to vector<540x4xf32>
    %dot_general3A_467 = arith.constant dense<0.000000e+00> : vector<4x540xf32>
    %dot_general3A_468 = tpu.matmul %convert_element_type3A_11, %get3A_466, %dot_general3A_467 {dimension_numbers = #tpu.dot_dimension_numbers<[1], [1], [0], [0], [0, 0, 1, 0], [], []>, transpose_lhs_hint = false} : vector<4x4xf32>, vector<540x4xf32>, vector<4x540xf32> -> vector<4x540xf32>
    %sub3A_469 = arith.subf %dot_general3A_461, %dot_general3A_468 : vector<4x540xf32>
    %abs3A_470 = math.absf %sub3A_469 : vector<4x540xf32>
    %lt3A_471 = arith.constant 1.000000e+00 : f32
    %lt3A_472 = vector.broadcast %lt3A_471 : f32 to vector<4x540xf32>
    %lt3A_473 = arith.cmpf olt, %abs3A_470, %lt3A_472 : vector<4x540xf32>
    %mul3A_474 = arith.constant 5.000000e-01 : f32
    %mul3A_475 = vector.broadcast %mul3A_474 : f32 to vector<4x540xf32>
    %mul3A_476 = arith.mulf %mul3A_475, %sub3A_469 : vector<4x540xf32>
    %mul3A_477 = arith.mulf %mul3A_476, %sub3A_469 : vector<4x540xf32>
    %sub3A_478 = arith.constant 5.000000e-01 : f32
    %sub3A_479 = vector.broadcast %sub3A_478 : f32 to vector<4x540xf32>
    %sub3A_480 = arith.subf %abs3A_470, %sub3A_479 : vector<4x540xf32>
    %select_n3A_481 = arith.select %lt3A_473, %mul3A_477, %sub3A_480 : vector<4x540xi1>, vector<4x540xf32>
    %reduce_sum3A_482 = arith.constant dense<0.000000e+00> : vector<540xf32>
    %reduce_sum3A_483 = vector.multi_reduction <add>, %select_n3A_481, %reduce_sum3A_482 [0] : vector<4x540xf32> to vector<540xf32>
    %broadcast_in_dim3A_484 = vector.shape_cast %reduce_sum3A_483 : vector<540xf32> to vector<1x540xf32>
    %jit3A_485 = arith.constant 1.000000e+00 : f32
    %jit3A_486 = arith.constant 0.000000e+00 : f32
    %broadcast_in_dim3A_487 = vector.broadcast %jit3A_485 : f32 to vector<1x540xf32>
    %broadcast_in_dim3A_488 = vector.broadcast %jit3A_486 : f32 to vector<1x540xf32>
    %select_n3A_489 = arith.select %gt3A_437, %broadcast_in_dim3A_487, %broadcast_in_dim3A_488 : vector<1x540xi1>, vector<1x540xf32>
    %reduce_sum3A_490 = vector.shape_cast %select_n3A_489 : vector<1x540xf32> to vector<1x1x540xf32>
    %reduce_sum3A_491 = arith.constant dense<0.000000e+00> : vector<1xf32>
    %reduce_sum3A_492 = vector.multi_reduction <add>, %reduce_sum3A_490, %reduce_sum3A_491 [1, 2] : vector<1x1x540xf32> to vector<1xf32>
    %reduce_sum3A_493 = vector.shape_cast %reduce_sum3A_492 : vector<1xf32> to vector<1x1x1xf32>
    %reduce_sum3A_494 = vector.extract %reduce_sum3A_493[0, 0, 0] : f32 from vector<1x1x1xf32>
    %add3A_495 = arith.addf %add3A_393, %reduce_sum3A_494 : f32
    %mul3A_496 = arith.mulf %sub3A_434, %select_n3A_489 : vector<1x540xf32>
    %reduce_sum3A_497 = vector.shape_cast %mul3A_496 : vector<1x540xf32> to vector<1x1x540xf32>
    %reduce_sum3A_498 = arith.constant dense<0.000000e+00> : vector<1xf32>
    %reduce_sum3A_499 = vector.multi_reduction <add>, %reduce_sum3A_497, %reduce_sum3A_498 [1, 2] : vector<1x1x540xf32> to vector<1xf32>
    %reduce_sum3A_500 = vector.shape_cast %reduce_sum3A_499 : vector<1xf32> to vector<1x1x1xf32>
    %reduce_sum3A_501 = vector.extract %reduce_sum3A_500[0, 0, 0] : f32 from vector<1x1x1xf32>
    %add3A_502 = arith.addf %add3A_400, %reduce_sum3A_501 : f32
    %mul3A_503 = arith.mulf %broadcast_in_dim3A_484, %select_n3A_489 : vector<1x540xf32>
    %reduce_sum3A_504 = vector.shape_cast %mul3A_503 : vector<1x540xf32> to vector<1x1x540xf32>
    %reduce_sum3A_505 = arith.constant dense<0.000000e+00> : vector<1xf32>
    %reduce_sum3A_506 = vector.multi_reduction <add>, %reduce_sum3A_504, %reduce_sum3A_505 [1, 2] : vector<1x1x540xf32> to vector<1xf32>
    %reduce_sum3A_507 = vector.shape_cast %reduce_sum3A_506 : vector<1xf32> to vector<1x1x1xf32>
    %reduce_sum3A_508 = vector.extract %reduce_sum3A_507[0, 0, 0] : f32 from vector<1x1x1xf32>
    %add3A_509 = arith.addf %add3A_407, %reduce_sum3A_508 : f32
    %broadcast_in_dim3A_510 = arith.constant -1.000000e+00 : f32
    %broadcast_in_dim3A_511 = vector.broadcast %broadcast_in_dim3A_510 : f32 to vector<1x4xf32>
    %swap3A_512 = arith.constant 0 : index
    %swap3A_513 = arith.constant 0 : index
    %swap3A_514 = arith.constant 8732 : index
    %swap3A_515 = vector.load %arg5[%swap3A_512, %swap3A_513, %swap3A_514] : memref<1x1x8736xf32, #tpu.memory_space<vmem>>, vector<1x1x4xf32>
    %swap3A_516 = vector.shape_cast %swap3A_515 : vector<1x1x4xf32> to vector<1x4xf32>
    %swap3A_517 = vector.shape_cast %broadcast_in_dim3A_511 : vector<1x4xf32> to vector<1x1x4xf32>
    tpu.vector_store %arg5[%swap3A_512, %swap3A_513, %swap3A_514], %swap3A_517 {strides = array<i32>} : memref<1x1x8736xf32, #tpu.memory_space<vmem>>, vector<1x1x4xf32>,
    %broadcast_in_dim3A_518 = arith.constant 0.000000e+00 : f32
    %broadcast_in_dim3A_519 = vector.broadcast %broadcast_in_dim3A_518 : f32 to vector<1x4xf32>
    %swap3A_520 = arith.constant 0 : index
    %swap3A_521 = arith.constant 0 : index
    %swap3A_522 = arith.constant 8732 : index
    %swap3A_523 = vector.load %arg6[%swap3A_520, %swap3A_521, %swap3A_522] : memref<1x1x8736xf32, #tpu.memory_space<vmem>>, vector<1x1x4xf32>
    %swap3A_524 = vector.shape_cast %swap3A_523 : vector<1x1x4xf32> to vector<1x4xf32>
    %swap3A_525 = vector.shape_cast %broadcast_in_dim3A_519 : vector<1x4xf32> to vector<1x1x4xf32>
    tpu.vector_store %arg6[%swap3A_520, %swap3A_521, %swap3A_522], %swap3A_525 {strides = array<i32>} : memref<1x1x8736xf32, #tpu.memory_space<vmem>>, vector<1x1x4xf32>,
    %iota3A_526 = tpu.iota {dimensions = array<i32: 1>} : vector<1x8xi32>
    %eq3A_527 = arith.constant 0 : i32
    %eq3A_528 = vector.broadcast %eq3A_527 : i32 to vector<1x8xi32>
    %eq3A_529 = arith.cmpi eq, %iota3A_526, %eq3A_528 : vector<1x8xi32>
    %eq3A_530 = arith.constant 1 : i32
    %eq3A_531 = vector.broadcast %eq3A_530 : i32 to vector<1x8xi32>
    %eq3A_532 = arith.cmpi eq, %iota3A_526, %eq3A_531 : vector<1x8xi32>
    %eq3A_533 = arith.constant 2 : i32
    %eq3A_534 = vector.broadcast %eq3A_533 : i32 to vector<1x8xi32>
    %eq3A_535 = arith.cmpi eq, %iota3A_526, %eq3A_534 : vector<1x8xi32>
    %jit3A_536 = arith.constant 0.000000e+00 : f32
    %broadcast_in_dim3A_537 = vector.broadcast %add3A_509 : f32 to vector<1x8xf32>
    %broadcast_in_dim3A_538 = vector.broadcast %jit3A_536 : f32 to vector<1x8xf32>
    %select_n3A_539 = arith.select %eq3A_535, %broadcast_in_dim3A_537, %broadcast_in_dim3A_538 : vector<1x8xi1>, vector<1x8xf32>
    %broadcast_in_dim3A_540 = vector.broadcast %add3A_502 : f32 to vector<1x8xf32>
    %select_n3A_541 = arith.select %eq3A_532, %broadcast_in_dim3A_540, %select_n3A_539 : vector<1x8xi1>, vector<1x8xf32>
    %broadcast_in_dim3A_542 = vector.broadcast %add3A_495 : f32 to vector<1x8xf32>
    %select_n3A_543 = arith.select %eq3A_529, %broadcast_in_dim3A_542, %select_n3A_541 : vector<1x8xi1>, vector<1x8xf32>
    %swap3A_544 = arith.constant 0 : index
    %swap3A_545 = arith.constant 0 : index
    %swap3A_546 = arith.constant 0 : index
    %swap3A_547 = vector.load %arg7[%swap3A_544, %swap3A_545, %swap3A_546] : memref<1x1x8xf32, #tpu.memory_space<vmem>>, vector<1x1x8xf32>
    %swap3A_548 = vector.shape_cast %swap3A_547 : vector<1x1x8xf32> to vector<1x8xf32>
    %swap3A_549 = vector.shape_cast %select_n3A_543 : vector<1x8xf32> to vector<1x1x8xf32>
    tpu.vector_store %arg7[%swap3A_544, %swap3A_545, %swap3A_546], %swap3A_549 {strides = array<i32>} : memref<1x1x8xf32, #tpu.memory_space<vmem>>, vector<1x1x8xf32>,
    return
  }
  func.func @transform_0(%arg0: i32) -> (i32, i32, i32) {
    %c0_i32 = arith.constant 0 : i32
    %c0_i32_0 = arith.constant 0 : i32
    %c0_i32_1 = arith.constant 0 : i32
    return %arg0, %c0_i32, %c0_i32_0 : i32, i32, i32
  }
  func.func @transform_1(%arg0: i32) -> (i32, i32, i32) {
    %c0_i32 = arith.constant 0 : i32
    %c0_i32_0 = arith.constant 0 : i32
    %c0_i32_1 = arith.constant 0 : i32
    return %arg0, %c0_i32, %c0_i32_0 : i32, i32, i32
  }
  func.func @transform_2(%arg0: i32) -> (i32, i32, i32) {
    %c0_i32 = arith.constant 0 : i32
    %c0_i32_0 = arith.constant 0 : i32
    %c0_i32_1 = arith.constant 0 : i32
    return %arg0, %c0_i32, %c0_i32_0 : i32, i32, i32
  }
  func.func @transform_3(%arg0: i32) -> (i32, i32, i32) {
    %c0_i32 = arith.constant 0 : i32
    %c0_i32_0 = arith.constant 0 : i32
    %c0_i32_1 = arith.constant 0 : i32
    return %arg0, %c0_i32, %c0_i32_0 : i32, i32, i32
  }
  func.func @transform_4(%arg0: i32) -> (i32, i32, i32) {
    %c0_i32 = arith.constant 0 : i32
    %c0_i32_0 = arith.constant 0 : i32
    %c0_i32_1 = arith.constant 0 : i32
    return %arg0, %c0_i32, %c0_i32_0 : i32, i32, i32
  }
  func.func @transform_5(%arg0: i32) -> (i32, i32, i32) {
    %c0_i32 = arith.constant 0 : i32
    %c0_i32_0 = arith.constant 0 : i32
    %c0_i32_1 = arith.constant 0 : i32
    return %arg0, %c0_i32, %c0_i32_0 : i32, i32, i32
  }
  func.func @transform_6(%arg0: i32) -> (i32, i32, i32) {
    %c0_i32 = arith.constant 0 : i32
    %c0_i32_0 = arith.constant 0 : i32
    %c0_i32_1 = arith.constant 0 : i32
    return %arg0, %c0_i32, %c0_i32_0 : i32, i32, i32
  }
}

</mosaic_0001>

<sc_bundles>
// kernel: kernel.4.cloned.1.call-start
scs
__scs_entry_jumppad:
0x0: {  	(pc) =	sbr.rel $0x88, $3  }
0x1: {  	(tag) =	ssettag $0x0;
	lr =	simm.s32 $0x1  }
0x2: {  	[smem:$0x3F9D] =	sst lr;
	_ =	strace $0xD0000000  }
0x3: {  	_ = 	snop  }
0x4: {  	_ = 	snop  }
0x5: {  	_ = 	snop  }
0x6: {  	_ = 	snop  }
0x7: {  	_ = 	snop  }
__scs_overlays_trampoline_lowered:
0x8: {  	[smem:$0x3FAC] =	sst s0  }
0x9: {  	[smem:$0x3FAD] =	sst s1  }
0xa: {  	[smem:$0x3FAE] =	sst s2  }
0xb: {  	[smem:$0x3FAF] =	sst s3  }
0xc: {  	[smem:$0x3FB0] =	sst s4  }
0xd: {  	[smem:$0x3FB1] =	sst s5  }
0xe: {  	[smem:$0x3FB2] =	sst s6  }
0xf: {  	[smem:$0x3FB3] =	sst s7  }
0x10: {  	[smem:$0x3FB4] =	sst s8  }
0x11: {  	[smem:$0x3FB5] =	sst s9;
	s0 =	simm.s32 @!p0 $0x0  }
0x12: {  	s1 =	sld [smem:$0x3F9B];
	s0 =	simm.s32 @p0 $0x1  }
0x13: {  	[smem:$0x3FB6] =	sst s0;
	s0 =	simm.s32 @!p1 $0x0  }
0x14: {  	s2 =	sld [smem:$0x3F9A];
	s0 =	simm.s32 @p1 $0x1  }
0x15: {  	[smem:$0x3FB7] =	sst s0;
	s0 =	simm.s32 @!p2 $0x0  }
0x16: {  	s3 =	sld [smem:$0x3FDB];
	s0 =	simm.s32 @p2 $0x1  }
0x17: {  	s4 =	simm.s32 $0x1BF5;
	[smem:$0x3FB9] =	sst s0  }
0x18: {  	s0 =	sld [smem:$0x3F9C];
	_ =	swait.ge [sflag:s4], $0x0  }
0x19: {  	s7 =	sld [smem:$0x3F9D]  }
0x1a: {  	s8 =	sadd.s32 $0xFFFFE003, lr  }
0x1b: {  	s9 =	sadd.s32 $0xFFFFFEF7, lr;
	s5 =	simm.s32 $0xFFFFFFFF;
	p2 =	slt.u32 s8, $0xFFFFF086  }
0x1c: {  	p1 =	slt.u32 s9, $0xF7A;
	s5 =	simm.s32 @!p2 $0x0  }
0x1d: {  	s5 =	simm.s32 @p1 $0x1;
	p0 =	seq.s32 s7, s2  }
0x1e: {  	s7 =	smul.u32 @!p0 $0xF7A, s2;
	p2 =	seq.s32 @!p0 s5, $0x0  }
0x1f: {  	s9 =	smul.u32 $0xF7A, s1;
	s8 =	simm.s32 @!p0 $0x1BF5;
	p2 =	por !p2, p0  }
0x20: {  	[sflag:s8] =	ssyncset.s32 @!p0 $0xFFFFF086;
	s6 =	sadd.s32 @!p0 s3, s7;
	s7 =	simm.s32 @!p0 $0x108  }
0x21: {  	s3 =	sadd.s32 s3, s9;
	s6 =	sadd.s32 @!p0 $0x88, s6;
	s7 =	simm.s32 @p2 $0x1082  }
0x22: {  	[simem:s7], [sflag:s8] =	dma.local @!p0 [hbm:s6], $0xF7A  }
0x23: {  	s9 =	sor.u32 $0xD0000000, s2;
	s6 =	simm.s32 $0x108;
	_ =	swait.ge @!p0 [sflag:s8], $0x0  }
0x24: {  	s3 =	sadd.s32 $0x88, s3;
	s6 =	simm.s32 @!p1 $0x1082;
	[sflag:s4] =	ssyncset.s32 $0xFFFFF086  }
0x25: {  	[simem:s6], [sflag:s4] =	dma.local [hbm:s3], $0xF7A  }
0x26: {  	[smem:$0x3F9D] =	sst s1;
	(tag) =	ssettag s2;
	_ =	strace s9  }
0x27: {  	s1 =	sld [smem:$0x3FAD]  }
0x28: {  	s2 =	sld [smem:$0x3FAE]  }
0x29: {  	s4 =	sld [smem:$0x3FB0]  }
0x2a: {  	p0 =	seq.s32 s5, $0x0;
	s5 =	sld [smem:$0x3FB1]  }
0x2b: {  	s6 =	sld [smem:$0x3FB2]  }
0x2c: {  	s7 =	sld [smem:$0x3FB3]  }
0x2d: {  	s3 =	simm.s32 $0x108;
	s8 =	sld [smem:$0x3FB4]  }
0x2e: {  	s3 =	simm.s32 @!p0 $0x1082;
	s9 =	sld [smem:$0x3FB5]  }
0x2f: {  	lr =	sadd.s32 s0, s3;
	s0 =	sld [smem:$0x3FAC]  }
0x30: {  	s3 =	sld [smem:$0x3FAF]  }
0x31: {  	[smem:$0x3FB8] =	sst s10  }
0x32: {  	s10 =	sld [smem:$0x3FB6];
	_ =	sdelay $0x3  }
0x33: {  	p0 =	seq.s32 s10, $0x1;
	s10 =	sld [smem:$0x3FB8];
	_ =	sdelay $0x3  }
0x34: {  	[smem:$0x3FB8] =	sst s10  }
0x35: {  	s10 =	sld [smem:$0x3FB7];
	_ =	sdelay $0x3  }
0x36: {  	p1 =	seq.s32 s10, $0x1;
	s10 =	sld [smem:$0x3FB8];
	_ =	sdelay $0x3  }
0x37: {  	[smem:$0x3FB8] =	sst s10  }
0x38: {  	s10 =	sld [smem:$0x3FB9]  }
0x39: {  	_ = 	snop;
	(pc) =	sbr.ind lr, $3  }
0x3a: {  	_ = 	snop  }
0x3b: {  	_ = 	snop  }
0x3c: {  	p2 =	seq.s32 s10, $0x1;
	s10 =	sld [smem:$0x3FB8]  }
0x3d: {  	_ =	shalt  }
0x3e: {  	_ =	shalt  }
0x3f: {  	_ =	shalt  }
0x40: {  	_ =	shalt  }
0x41: {  	_ =	shalt  }
0x42: {  	_ =	shalt  }
0x43: {  	_ =	shalt  }
0x44: {  	_ =	shalt  }
0x45: {  	_ =	shalt  }
0x46: {  	_ =	shalt  }
0x47: {  	_ =	shalt  }
0x48: {  	_ =	shalt  }
0x49: {  	_ =	shalt  }
0x4a: {  	_ =	shalt  }
0x4b: {  	_ =	shalt  }
0x4c: {  	_ =	shalt  }
0x4d: {  	_ =	shalt  }
0x4e: {  	_ =	shalt  }
0x4f: {  	_ =	shalt  }
0x50: {  	_ =	shalt  }
0x51: {  	_ =	shalt  }
0x52: {  	_ =	shalt  }
0x53: {  	_ =	shalt  }
0x54: {  	_ =	shalt  }
0x55: {  	_ =	shalt  }
0x56: {  	_ =	shalt  }
0x57: {  	_ =	shalt  }
0x58: {  	_ =	shalt  }
0x59: {  	_ =	shalt  }
0x5a: {  	_ =	shalt  }
0x5b: {  	_ =	shalt  }
0x5c: {  	_ =	shalt  }
0x5d: {  	_ =	shalt  }
0x5e: {  	_ =	shalt  }
0x5f: {  	_ =	shalt  }
0x60: {  	_ =	shalt  }
0x61: {  	_ =	shalt  }
0x62: {  	_ =	shalt  }
0x63: {  	_ =	shalt  }
0x64: {  	_ =	shalt  }
0x65: {  	_ =	shalt  }
0x66: {  	_ =	shalt  }
0x67: {  	_ =	shalt  }
0x68: {  	_ =	shalt  }
0x69: {  	_ =	shalt  }
0x6a: {  	_ =	shalt  }
0x6b: {  	_ =	shalt  }
0x6c: {  	_ =	shalt  }
0x6d: {  	_ =	shalt  }
0x6e: {  	_ =	shalt  }
0x6f: {  	_ =	shalt  }
0x70: {  	_ =	shalt  }
0x71: {  	_ =	shalt  }
0x72: {  	_ =	shalt  }
0x73: {  	_ =	shalt  }
0x74: {  	_ =	shalt  }
0x75: {  	_ =	shalt  }
0x76: {  	_ =	shalt  }
0x77: {  	_ =	shalt  }
0x78: {  	_ =	shalt  }
0x79: {  	_ =	shalt  }
0x7a: {  	_ =	shalt  }
0x7b: {  	_ =	shalt  }
0x7c: {  	_ =	shalt  }
0x7d: {  	_ =	shalt  }
0x7e: {  	_ =	shalt  }
0x7f: {  	_ =	shalt  }
0x80: {  	_ =	shalt  }
0x81: {  	_ =	shalt  }
0x82: {  	_ =	shalt  }
0x83: {  	_ =	shalt  }
0x84: {  	_ =	shalt  }
0x85: {  	_ =	shalt  }
0x86: {  	_ =	shalt  }
0x87: {  	_ =	shalt  }
.Lfunc_end0:
.L_simem_size_0:
called_computation_lowered:
.L_overlay_start_0:
0x88: {  	s2 =	sld [smem:$0x3FD9]  }
0x89: {  	s3 =	sld [smem:$0x3FFE];
	_ =	sdelay $0x1  }
0x8a: {  	s1 =	srdreg.scid  }
0x8b: {  	s0 =	sand.u32 $0x1, s1  }
0x8c: {  	s16 =	sshll.u32 s0, $0xA;
	s2 =	sadd.s32 s3, s2  }
0x8d: {  	s2 =	sadd.s32 s2, s16  }
0x8e: {  	[smem:$0x3FC4] =	sst s2  }
0x8f: {  	_ = 	snop  }
0x90: {  	(tm) =	ssettm $0x1  }
0x91: {  	s17 =	sld [smem:$0x3FFB];
	_ =	sdelay $0x3  }
0x92: {  	_ =	strace s17  }
0x93: {  	s2 =	sld [smem:$0x3FFC];
	_ =	sdelay $0x3  }
0x94: {  	_ =	strace s2  }
0x95: {  	s2 =	sld [smem:$0x3FFD];
	_ =	sdelay $0x3  }
0x96: {  	_ =	strace s2  }
0x97: {  	_ =	strace $0x8FFFFFFF  }
0x98: {  	s18 =	sld [smem:$0x3FDB];
	_ =	sdelay $0x1  }
0x99: {  	s19 =	simm.s32 $_scs_section_size  }
0x9a: {  	s4 =	simm.s32 $_size__tile_overlayer_lowered;
	s5 =	simm.s32 $_tile_overlayer_lowered  }
0x9b: {  	s22 =	simm.s32 $0x1BFF;
	s21 =	sshll.u32 s5, $0x1;
	s2 =	sadd.s32 s19, s18  }
0x9c: {  	s6 =	simm.s32 $0x0;
	s20 =	sshll.u32 s4, $0x1;
	s4 =	sadd.s32 s21, s2  }
0x9d: {  	[timem:s6], [sflag:s22] =	dma.local [hbm:s4], s20  }
0x9e: {  	_ =	swait.ge [sflag:s22], s20  }
0x9f: {  	s3 =	ssub.s32 $0x0, s20;
	[sflag:s22] =	ssyncset.done $0x0  }
0xa0: {  	[sflag:s22] =	ssyncadd.s32 s3;
	_ =	sdelay $0x1  }
0xa1: {  	s23 =	simm.s32 $0x1B8B  }
0xa2: {  	_ =	swait.ge [sflag:s23], $0x1  }
0xa3: {  	[sflag:s23] =	ssyncset.done $0x0  }
0xa4: {  	s25 =	simm.s32 $0x1B8E;
	s24 =	sld [smem:$0x3FFE];
	[sflag:s23] =	ssyncadd.s32 $0xFFFFFFFF  }
0xa5: {  	s26 =	simm.s32 $execute0_lowered;
	[smem:$0x3FD2] =	sst s25  }
0xa6: {  	s4 =	sshll.u32 s26, $0x1;
	_ =	strace $0x80000046;
	[dreg:$0x1] =	wrdreg $0xFFFFFFFF  }
0xa7: {  	s28 =	simm.s32 $_size_execute0_lowered;
	s2 =	sadd.s32 s2, s4;
	[dreg:$0x0] =	wrdreg $0x0  }
0xa8: {  	s4 =	sshll.u32 s28, $0x1;
	[dreg:$0x2] =	wrdreg s2  }
0xa9: {  	[dreg:$0x3] =	wrdreg s4  }
0xaa: {  	[dreg:$0x4] =	wrdreg $0xC0  }
0xab: {  	_ =	task [dreg:s6], $0x5FFFF  }
0xac: {  	[dreg:$0x1] =	wrdreg $0xFFFFFFFF  }
0xad: {  	[dreg:$0x0] =	wrdreg $0x60  }
0xae: {  	[dreg:$0x2] =	wrdreg s24  }
0xaf: {  	[dreg:$0x3] =	wrdreg $0x9  }
0xb0: {  	_ =	task.clear_ibuf [dreg:s6], $0x4FFFF;
	_ =	strace $0x90000046  }
0xb1: {  	s29 =	simm.s32 $0x9;
	_ =	strace $0x80000048  }
0xb2: {  	_ =	swait.ge [sflag:s29], $0x1  }
0xb3: {  	[sflag:s29] =	ssyncadd.s32 $0xFFFFFFFF  }
0xb4: {  	_ =	strace $0x90000048  }
0xb5: {  	_ =	sfence  }
0xb6: {  	s30 =	sld [smem:$0x0];
	_ =	sdelay $0x2  }
0xb7: {  	s31 =	sshll.u32 s1, $0xD;
	s1 =	sshrl.u32 s1, $0x2  }
0xb8: {  	s3 =	sand.u32 $0x4000, s31;
	s1 =	sadd.s32 s1, s30  }
0xb9: {  	s0 =	sor.u32 s3, s0;
	s1 =	sshll.u32 s1, $0x11  }
0xba: {  	s0 =	sor.u32 s1, s0  }
0xbb: {  	s0 =	sadd.s32 $0x8F2B, s0  }
0xbc: {  	[sflag:s0] =	ssyncadd.remote.s32 $0x1  }
0xbd: {  	_ =	sfence.sel $0xFFFF  }
0xbe: {  	[dreg:$0x0] =	wrdreg $0xFFFFFFFF;
	(pc) =	sbr.abs _section_cstart, $3  }
0xbf: {  	[dreg:$0x1] =	wrdreg $0xFFFFFFFF  }
0xc0: {  	_ =	task.clear_ibuf [dreg:s6], $0x2FFFF;
	_ =	strace $0x9FFFFFFF  }
0xc1: {  	(tm) =	ssettm $0x7FFFFFFF  }
tec
execute0_lowered:
.L_overlay_start_1:
0x0: {  	(tag) =	ssettag $0x1  }
0x1: {  	v0 =	vimm.s32 $0xEFCDAB89;
	v1 =	vimm.s32 $0x67452301  }
0x2: {  	v2 =	vimm.s32 $0xDCFE98BA;
	v0 =	vunpack.c.l.s4.s8 v0;
	v1 =	vunpack.c.l.s4.s8 v1  }
0x3: {  	s1 =	srdreg.scid;
	v4 =	vimm.s32 $0xBA98FEDC;
	v5 =	vimm.s32 $0xFEDCBA98;
	v6 =	vimm.s32 $0x32107654  }
0x4: {  	s0 =	stileid.u32;
	s6 =	rddreg [dreg:$0x0];
	s2 =	simm.s32 $0x0;
	v7 =	vimm.s32 $0x76543210;
	v0 =	vunpack.c.0.s8.s32 v0;
	v1 =	vunpack.c.0.s8.s32 v1  }
0x5: {  	s10 =	simm.s32 $0x4500;
	s11 =	simm.s32 $0x4580;
	s12 =	simm.s32 $0x0;
	v5 =	vunpack.c.l.s4.s8 v5;
	v4 =	vunpack.c.l.s4.s8 v4;
	v6 =	vunpack.c.l.s4.s8 v6  }
0x6: {  	s3 =	sand.u32 $0x1, s1;
	s30 =	sshll.u32 s0, $0x1;
	[smem:$0x7FF] =	sst s2;
	v0 =	vcombine.low v1, v0;
	v1 =	vunpack.c.l.s4.s8 v2;
	v2 =	vimm.s32 $0x54761032  }
0x7: {  	vm1 =	vcmask $0x300;
	v7 =	vunpack.c.l.s4.s8 v7;
	s4 =	sor.u32 s3, s30;
	s5 =	sand.u32 $0x10, s30;
	s3 =	ssub.s32 $0x2, s3;
	v2 =	vunpack.c.l.s4.s8 v2  }
0x8: {  	s1 =	ssub.s32 s4, s5;
	s7 =	smul.u32 $0x444, s4;
	s4 =	sshll.u32 s4, $0x1;
	v5 =	vunpack.c.0.s8.s32 v5;
	v4 =	vunpack.c.0.s8.s32 v4;
	v6 =	vunpack.c.0.s8.s32 v6  }
.Ltmp0:
0x9: {  	s31 =	sshrl.u32 s3, $0x1;
	v7 =	vunpack.c.0.s8.s32 v7;
	s5 =	sshrl.u32 s5, $0x3;
	v8 =	vunpack.c.0.s8.s32 v1;
	v2 =	vunpack.c.0.s8.s32 v2;
	(pc) =	sbr.rel .LBB2_1-.Ltmp0, $4  }
0xa: {  	v3 =	vmov s1;
	s1 =	rddreg [dreg:$0x1];
	_ =	strace $0x80000047;
	s8 =	sadd.s32 s4, s6;
	v5 =	vand.u32 $0xF, v5;
	v1 =	vlaneseq.u32  }
0xb: {  	s9 =	ssub.s32 s3, s31;
	s5 =	sadd.s32 s6, s5;
	s7 =	sadd.s32 s7, s6;
	vm0 =	veq.s32 v3, v1;
	v3 =	vcombine.low v6, v4;
	v2 =	vcombine.low v2, v8  }
0xc: {  	vm2 =	vcmask $0x704;
	s6 =	sadd.s32 $0x11800, s8;
	s8 =	simm.s32 $0x1;
	s3 =	sadd.s32 $0x400, s7;
	v4 =	vcombine.low v5, v7;
	v5 =	vimm.f32 $0.0e+00  }
0xd: {  	s4 =	sadd.s32 $0x8E00, s7;
	s7 =	smax.u32 s9, $0x1;
	s9 =	simm.s32 $0x2280;
	v6 =	vand.u32 $0xF, v0;
	v8 =	vand.u32 $0xF, v3;
	v7 =	vand.u32 $0xF, v2  }
.LBB2_19:
0xe: {  	s14 =	simm.f32 @!p0 $0.0e+00  }
.LBB2_17:
0xf: {  	v9 =	vmov s14  }
0x10: {  	s12 =	sadd.s32 $0x1, s12;
	v9 =	vnsel vm1, $0x0, v9  }
0x11: {  	p0 =	sne.s32 s12, s7;
	v9 =	vsel vm2, s13, v9  }
.Ltmp1:
0x12: {  	[tilespmem:$0x4580] =	vst v9;
	(pc) =	sbr.rel @!p0 .LBB2_18-.Ltmp1, $4  }
0x13: {  	[hbm4b:s6+s2] =	stream.linear.scatter [tilespmem:s11], [sflag:$0x1], $0x10, $0x38;
	[tilespmem:$0x4600] =	vst v63  }
0x14: {  	_ =	swait.ge [sflag:s8], $0x10  }
0x15: {  	[sflag:s8] =	ssyncset.done $0x0  }
0x16: {  	[sflag:s8] =	ssyncadd.s32 $0xFFFFFFF0  }
.LBB2_1:
0x17: {  	[tilespmem:s2], [sflag:$0x1] =	stream.linear.gather [hbm4b:s3+s2], $0x2220, $0x38;
	[tilespmem:$0x4600] =	vst v63  }
0x18: {  	_ =	swait.ge [sflag:s8], $0x2220  }
0x19: {  	[sflag:s8] =	ssyncset.done $0x0  }
0x1a: {  	[sflag:s8] =	ssyncadd.s32 $0xFFFFDDE0  }
0x1b: {  	[tilespmem:s9], [sflag:$0x1] =	stream.linear.gather [hbm4b:s4+s2], $0x2220, $0x38;
	[tilespmem:$0x4600] =	vst v63  }
0x1c: {  	_ =	swait.ge [sflag:s8], $0x2220  }
0x1d: {  	[sflag:s8] =	ssyncset.done $0x0  }
0x1e: {  	[sflag:s8] =	ssyncadd.s32 $0xFFFFDDE0  }
0x1f: {  	[tilespmem:s10], [sflag:$0x1] =	stream.linear.gather [hbm4b:s5+s2], $0x10, $0x38;
	[tilespmem:$0x4600] =	vst v63  }
0x20: {  	_ =	swait.ge [sflag:s8], $0x10  }
0x21: {  	[sflag:s8] =	ssyncset.done $0x0  }
0x22: {  	[sflag:s8] =	ssyncadd.s32 $0xFFFFFFF0  }
0x23: {  	v9 =	vld [tilespmem:$0x4500];
	_ =	sdelay $0x4  }
0x24: {  	v9 =	vnsel vm0, $0x0, v9  }
0x25: {  	v10 =	vperm.xlane v9, v0;
	_ =	sdelay $0x1  }
0x26: {  	v9 =	vadd.f32 v10, v9;
	_ =	sdelay $0x1  }
0x27: {  	v10 =	vperm.xlane v9, v2;
	_ =	sdelay $0x1  }
0x28: {  	v9 =	vadd.f32 v10, v9;
	_ =	sdelay $0x1  }
0x29: {  	v10 =	vperm.xlane v9, v3;
	_ =	sdelay $0x1  }
0x2a: {  	s14 =	simm.s32 $0x0;
	v9 =	vadd.f32 v10, v9  }
0x2b: {  	v13 =	vld [tilespmem:s14+$0x0]  }
0x2c: {  	s13 =	simm.s32 $0x40;
	v14 =	vimm.f32 $0.0e+00;
	v11 =	vimm.f32 $0.0e+00;
	v12 =	vld [tilespmem:s14+$0x2280];
	v10 =	vperm.xlane v9, v4  }
.LBB2_2:
0x2d: {  	p0 =	sne.s32 s13, $0x8840  }
.Ltmp2:
0x2e: {  	_ = 	snop;
	(pc) =	sbr.rel @p0 .LBB2_2-.Ltmp2, $4  }
0x2f: {  	_ = 	snop  }
0x30: {  	s14 =	sshra.s32 s13, $0x2;
	s13 =	sadd.s32 $0x40, s13;
	vm3 =	vge.f32 v13, $0.0e+00  }
0x31: {  	v13 =	vld [tilespmem:s14+$0x0];
	v15 =	vsel vm3, $0x3F800000, v5;
	v16 =	vnsel vm3, $0x0, v12  }
0x32: {  	v12 =	vld [tilespmem:s14+$0x2280];
	v14 =	vadd.f32 v15, v14;
	v11 =	vadd.f32 v16, v11  }
0x33: {  	_ =	sdelay $0x2  }
0x34: {  	vm3 =	vge.f32 v13, $0.0e+00  }
0x35: {  	v13 =	vsel vm3, $0x3F800000, v5  }
0x36: {  	v13 =	vadd.f32 v13, v14;
	_ =	sdelay $0x1  }
0x37: {  	v14 =	vperm.xlane v13, v6;
	_ =	sdelay $0x1  }
0x38: {  	v13 =	vadd.f32 v14, v13;
	_ =	sdelay $0x1  }
0x39: {  	v14 =	vperm.xlane v13, v7;
	_ =	sdelay $0x1  }
0x3a: {  	v62 =	vadd.f32 v14, v13;
	_ =	sdelay $0x1  }
0x3b: {  	v12 =	vnsel vm3, $0x0, v12;
	v14 =	vperm.xlane v62, v8  }
0x3c: {  	v11 =	vadd.f32 v12, v11  }
0x3d: {  	v12 =	vadd.f32 v14, v62  }
0x3e: {  	v63 =	vperm.xlane v11, v6  }
0x3f: {  	v9 =	vadd.f32 v10, v9;
	v10 =	vperm.xlane v12, v4  }
0x40: {  	v11 =	vadd.f32 v63, v11  }
0x41: {  	(v2sf) =	vpush v9, $0x0;
	v9 =	vadd.f32 v10, v12  }
0x42: {  	v13 =	vperm.xlane v11, v7  }
0x43: {  	(v2sf) =	vpush v9, $0x0  }
0x44: {  	v11 =	vadd.f32 v13, v11;
	_ =	sdelay $0x1  }
0x45: {  	v10 =	vperm.xlane v11, v8;
	_ =	sdelay $0x1  }
0x46: {  	v9 =	vadd.f32 v10, v11;
	_ =	sdelay $0x1  }
0x47: {  	v10 =	vperm.xlane v9, v4;
	_ =	sdelay $0x1  }
0x48: {  	v9 =	vadd.f32 v10, v9;
	_ =	sdelay $0x1  }
0x49: {  	(v2sf) =	vpush v9, $0x0;
	_ =	sdelay $0x1  }
0x4a: {  	s13 =	spop (v2sf)  }
0x4b: {  	s13 =	smul.f32 $3.000000000e+00, s13  }
0x4c: {  	s14 =	spop (v2sf)  }
0x4d: {  	s13 =	smin.f32 s13, s14  }
0x4e: {  	p0 =	sge.f32 s13, s14;
	_ =	sdelay $0x1  }
0x4f: {  	p1 =	seq.f32 @!p0 s13, $0.0e+00;
	_ =	sdelay $0x1  }
0x50: {  	p1 =	por p0, p1  }
.Ltmp3:
0x51: {  	_ = 	snop;
	(pc) =	sbr.rel @p1 .LBB2_19-.Ltmp3, $2  }
0x52: {  	_ =	sdelay $0x2  }
0x53: {  	s14 =	spop (v2sf)  }
0x54: {  	s14 =	simm.s32 @!p0 $0x0  }
0x55: {  	s16 =	simm.s32 @!p0 $0x7FFFFFFF;
	s15 =	smov.u32 s14  }
.LBB2_5:
0x56: {  	s17 =	ssub.s32 s16, s14;
	p0 =	sne.s32 s16, s14;
	s18 =	simm.s32 $0x1  }
0x57: {  	s19 =	sshra.s32 s17, $0x1F;
	s18 =	simm.s32 @!p0 $0x0  }
0x58: {  	s20 =	sshrl.u32 s17, $0x1F;
	s30 =	sand.u32 $0x1, s17;
	s18 =	sor.u32 s18, s19  }
0x59: {  	s17 =	sadd.s32 s20, s17;
	p1 =	seq.s32 s30, $0x1;
	p6 =	sne.s32 s18, $0x1  }
0x5a: {  	s17 =	sshra.s32 s17, $0x1;
	p0 =	por !p6, !p1  }
0x5b: {  	s18 =	simm.s32 $0x1;
	s17 =	sadd.s32 s14, s17;
	p0 =	por !p0, !p0  }
0x5c: {  	s17 =	sadd.s32 s30, s17;
	s18 =	simm.s32 @!p0 $0x0  }
0x5d: {  	s31 =	simm.s32 $0x0;
	s17 =	ssub.s32 s17, s18  }
0x5e: {  	v11 =	vld [tilespmem:s31+$0x0];
	v9 =	vmov s17  }
0x5f: {  	s18 =	simm.s32 $0x40;
	v10 =	vbroadcast v9, $0x0;
	v9 =	vimm.f32 $0.0e+00  }
.LBB2_6:
0x60: {  	p0 =	sne.s32 s18, $0x8840  }
.Ltmp4:
0x61: {  	_ = 	snop;
	(pc) =	sbr.rel @p0 .LBB2_6-.Ltmp4, $4  }
0x62: {  	_ = 	snop  }
0x63: {  	s19 =	sshra.s32 s18, $0x2;
	s18 =	sadd.s32 $0x40, s18;
	vm3 =	vge.f32 v11, v10  }
0x64: {  	v11 =	vld [tilespmem:s19+$0x0];
	v12 =	vsel vm3, $0x3F800000, v5  }
0x65: {  	v9 =	vadd.f32 v12, v9  }
0x66: {  	_ =	sdelay $0x2  }
0x67: {  	vm3 =	vge.f32 v11, v10  }
0x68: {  	v10 =	vsel vm3, $0x3F800000, v5  }
0x69: {  	v9 =	vadd.f32 v10, v9;
	_ =	sdelay $0x1  }
0x6a: {  	v10 =	vperm.xlane v9, v0;
	_ =	sdelay $0x1  }
0x6b: {  	v9 =	vadd.f32 v10, v9;
	_ =	sdelay $0x1  }
0x6c: {  	v10 =	vperm.xlane v9, v2;
	_ =	sdelay $0x1  }
0x6d: {  	v9 =	vadd.f32 v10, v9;
	_ =	sdelay $0x1  }
0x6e: {  	v10 =	vperm.xlane v9, v3;
	_ =	sdelay $0x1  }
0x6f: {  	v9 =	vadd.f32 v10, v9;
	_ =	sdelay $0x1  }
0x70: {  	v10 =	vperm.xlane v9, v4;
	_ =	sdelay $0x1  }
0x71: {  	v9 =	vadd.f32 v10, v9;
	_ =	sdelay $0x1  }
0x72: {  	(v2sf) =	vpush v9, $0x0;
	_ =	sdelay $0xc  }
0x73: {  	s15 =	sadd.s32 $0x1, s15  }
0x74: {  	p1 =	sne.s32 s15, $0x1F  }
.Ltmp5:
0x75: {  	s18 =	spop (v2sf);
	(pc) =	sbr.rel @p1 .LBB2_5-.Ltmp5, $4  }
0x76: {  	p0 =	sge.f32 s18, s13  }
0x77: {  	s18 =	sadd.s32 $0xFFFFFFFF, s17  }
0x78: {  	s18 =	smov.u32 @p0 s16  }
0x79: {  	s14 =	smov.u32 @p0 s17;
	s16 =	smov.u32 s18  }
0x7a: {  	s15 =	sadd.s32 $0x1, s14;
	s16 =	simm.s32 $0x0  }
0x7b: {  	v9 =	vmov s15;
	v11 =	vld [tilespmem:s16+$0x0]  }
0x7c: {  	s15 =	simm.s32 $0x40;
	v10 =	vbroadcast v9, $0x0;
	v9 =	vimm.f32 $0.0e+00  }
.LBB2_9:
0x7d: {  	p0 =	sne.s32 s15, $0x8840  }
.Ltmp6:
0x7e: {  	_ = 	snop;
	(pc) =	sbr.rel @p0 .LBB2_9-.Ltmp6, $4  }
0x7f: {  	_ = 	snop  }
0x80: {  	s16 =	sshra.s32 s15, $0x2;
	s15 =	sadd.s32 $0x40, s15;
	vm3 =	vge.f32 v11, v10  }
0x81: {  	v11 =	vld [tilespmem:s16+$0x0];
	v12 =	vsel vm3, $0x3F800000, v5  }
0x82: {  	v9 =	vadd.f32 v12, v9  }
0x83: {  	_ =	sdelay $0x2  }
0x84: {  	vm3 =	vge.f32 v11, v10  }
0x85: {  	v10 =	vsel vm3, $0x3F800000, v5  }
0x86: {  	v9 =	vadd.f32 v10, v9;
	_ =	sdelay $0x1  }
0x87: {  	v10 =	vperm.xlane v9, v0;
	_ =	sdelay $0x1  }
0x88: {  	v9 =	vadd.f32 v10, v9;
	_ =	sdelay $0x1  }
0x89: {  	v10 =	vperm.xlane v9, v2;
	_ =	sdelay $0x1  }
0x8a: {  	v9 =	vadd.f32 v10, v9;
	_ =	sdelay $0x1  }
0x8b: {  	v10 =	vperm.xlane v9, v3;
	_ =	sdelay $0x1  }
0x8c: {  	v9 =	vadd.f32 v10, v9;
	_ =	sdelay $0x1  }
0x8d: {  	v10 =	vperm.xlane v9, v4;
	_ =	sdelay $0x1  }
0x8e: {  	v9 =	vadd.f32 v10, v9;
	_ =	sdelay $0x1  }
0x8f: {  	(v2sf) =	vpush v9, $0x0;
	_ =	sdelay $0xd  }
0x90: {  	v9 =	vmov s14  }
0x91: {  	s16 =	simm.s32 $0x221F;
	s18 =	simm.s32 $0x0;
	v9 =	vbroadcast v9, $0x0;
	s15 =	spop (v2sf)  }
0x92: {  	s17 =	simm.s32 $0x0;
	s14 =	simm.s32 $0x0;
	s15 =	ssub.f32 s13, s15  }
.LBB2_11:
0x93: {  	s19 =	sadd.s32 s18, s16  }
0x94: {  	s20 =	sand.u32 $0x1, s19  }
0x95: {  	p0 =	slt.s32 s19, $0x1;
	p1 =	seq.s32 s20, $0x1  }
0x96: {  	v12 =	vld [tilespmem:s14+$0x0];
	s31 =	sshrl.u32 s19, $0x1F;
	p0 =	por !p0, !p1  }
0x97: {  	s19 =	sadd.s32 s31, s19;
	s20 =	simm.s32 $0x1;
	p0 =	por !p0, !p0  }
0x98: {  	s19 =	sshra.s32 s19, $0x1;
	s20 =	simm.s32 @!p0 $0x0  }
0x99: {  	s19 =	ssub.s32 s19, s20  }
0x9a: {  	v13 =	vor.u32 s14, v1;
	v11 =	vmov s19  }
0x9b: {  	v10 =	vimm.f32 $0.0e+00;
	s21 =	simm.s32 $0x10;
	vm3 =	veq.f32 v12, v9;
	s20 =	simm.s32 $0x10;
	vm4 =	vle.s32 v13, v11  }
.LBB2_12:
0x9c: {  	v12 =	vld [tilespmem:s21+$0x0];
	p0 =	sne.s32 s20, $0x2210;
	vm3 =	vmand vm4, vm3;
	s22 =	smov.u32 s20;
	s20 =	sadd.s32 $0x10, s20  }
.Ltmp7:
0x9d: {  	v13 =	vsel vm3, $0x3F800000, v5;
	(pc) =	sbr.rel @p0 .LBB2_12-.Ltmp7, $3  }
0x9e: {  	v10 =	vadd.f32 v13, v10;
	_ =	sdelay $0x1  }
0x9f: {  	v13 =	vor.u32 s22, v1  }
0xa0: {  	s21 =	sadd.s32 $0x10, s21;
	vm4 =	vle.s32 v13, v11;
	vm3 =	veq.f32 v12, v9  }
0xa1: {  	vm3 =	vmand vm4, vm3  }
0xa2: {  	v11 =	vsel vm3, $0x3F800000, v5  }
0xa3: {  	v10 =	vadd.f32 v11, v10;
	_ =	sdelay $0x1  }
0xa4: {  	v11 =	vperm.xlane v10, v0;
	_ =	sdelay $0x1  }
0xa5: {  	v10 =	vadd.f32 v11, v10;
	_ =	sdelay $0x1  }
0xa6: {  	v11 =	vperm.xlane v10, v2;
	_ =	sdelay $0x1  }
0xa7: {  	v10 =	vadd.f32 v11, v10;
	_ =	sdelay $0x1  }
0xa8: {  	v11 =	vperm.xlane v10, v3;
	_ =	sdelay $0x1  }
0xa9: {  	v10 =	vadd.f32 v11, v10;
	_ =	sdelay $0x1  }
0xaa: {  	v11 =	vperm.xlane v10, v4;
	_ =	sdelay $0x1  }
0xab: {  	v10 =	vadd.f32 v11, v10;
	_ =	sdelay $0x1  }
0xac: {  	(v2sf) =	vpush v10, $0x0;
	_ =	sdelay $0xc  }
0xad: {  	s17 =	sadd.s32 $0x1, s17  }
0xae: {  	p1 =	seq.s32 s17, $0xE  }
.Ltmp8:
0xaf: {  	s20 =	spop (v2sf);
	(pc) =	sbr.rel @!p1 .LBB2_11-.Ltmp8, $4  }
0xb0: {  	p0 =	sge.f32 s20, s15  }
0xb1: {  	s20 =	sadd.s32 $0x1, s19  }
0xb2: {  	s20 =	smov.u32 @p0 s18  }
0xb3: {  	s16 =	smov.u32 @p0 s19;
	s18 =	smov.u32 s20  }
0xb4: {  	s15 =	simm.s32 $0x0  }
0xb5: {  	v12 =	vld [tilespmem:s15+$0x0];
	_ =	sdelay $0x1  }
0xb6: {  	s14 =	simm.s32 $0x2280  }
0xb7: {  	v13 =	vld [tilespmem:s14+$0x0]  }
0xb8: {  	v11 =	vmov s20;
	v14 =	vor.u32 s15, v1  }
0xb9: {  	v10 =	vimm.f32 $0.0e+00;
	s16 =	simm.s32 $0x10;
	s15 =	simm.s32 $0x10;
	vm4 =	vle.s32 v14, v11;
	vm3 =	veq.f32 v12, v9  }
.LBB2_15:
0xba: {  	p0 =	sne.s32 s15, $0x2210;
	vm5 =	vgt.f32 v12, v9;
	v12 =	vld [tilespmem:s16+$0x0];
	vm3 =	vmand vm4, vm3;
	s17 =	smov.u32 s15;
	s15 =	sadd.s32 $0x10, s15  }
.Ltmp9:
0xbb: {  	vm3 =	vmor vm5, vm3;
	(pc) =	sbr.rel @p0 .LBB2_15-.Ltmp9, $4  }
0xbc: {  	s14 =	sadd.s32 $0x10, s14;
	v14 =	vnsel vm3, $0x0, v13  }
0xbd: {  	v13 =	vld [tilespmem:s14+$0x0];
	v10 =	vadd.f32 v14, v10  }
0xbe: {  	v14 =	vor.u32 s17, v1  }
0xbf: {  	s16 =	sadd.s32 $0x10, s16;
	vm4 =	vle.s32 v14, v11;
	vm3 =	veq.f32 v12, v9  }
0xc0: {  	vm5 =	vgt.f32 v12, v9;
	vm3 =	vmand vm4, vm3  }
0xc1: {  	vm3 =	vmor vm5, vm3  }
0xc2: {  	v9 =	vnsel vm3, $0x0, v13  }
0xc3: {  	v9 =	vadd.f32 v9, v10;
	_ =	sdelay $0x1  }
0xc4: {  	v10 =	vperm.xlane v9, v0;
	_ =	sdelay $0x1  }
0xc5: {  	v9 =	vadd.f32 v10, v9;
	_ =	sdelay $0x1  }
0xc6: {  	v10 =	vperm.xlane v9, v2;
	_ =	sdelay $0x1  }
0xc7: {  	v9 =	vadd.f32 v10, v9;
	_ =	sdelay $0x1  }
0xc8: {  	v10 =	vperm.xlane v9, v3;
	_ =	sdelay $0x1  }
0xc9: {  	v9 =	vadd.f32 v10, v9;
	_ =	sdelay $0x1  }
0xca: {  	v10 =	vperm.xlane v9, v4;
	_ =	sdelay $0x1  }
0xcb: {  	v9 =	vadd.f32 v10, v9;
	_ =	sdelay $0x1  }
0xcc: {  	(v2sf) =	vpush v9, $0x0;
	_ =	sdelay $0xa  }
.Ltmp10:
0xcd: {  	_ = 	snop;
	(pc) =	sbr.rel .LBB2_17-.Ltmp10, $2  }
0xce: {  	_ =	sdelay $0x2  }
0xcf: {  	s14 =	spop (v2sf)  }
.LBB2_18:
0xd0: {  	_ =	sfence.sel $0x180000  }
0xd1: {  	[bflag:$0x0] =	sbarrier.arrive $0xFFFF  }
0xd2: {  	p0 =	sne.s32 s0, $0x0;
	_ =	strace $0x90000047  }
0xd3: {  	s0 =	sadd.s32 @!p0 $0x100000, s1;
	[bflag:$0x2] =	sbarrier.arrive $0xFFFF  }
0xd4: {  	[sflag:s0] =	ssyncadd.tile.s32 @!p0 $0x1;
	_ =	shalt  }
.Lfunc_end2:
_tile_overlayer_lowered:
.L_overlay_start_2:
0xd5: {  	(tag) =	ssettag $0x2  }
0xd6: {  	s0 =	rddreg [dreg:$0x0];
	s2 =	stileid.u32  }
0xd7: {  	s1 =	rddreg [dreg:$0x1];
	p0 =	sne.s32 s2, $0x0  }
0xd8: {  	s3 =	rddreg [dreg:$0x2];
	[bflag:$0x3] =	sbarrier.arrive $0xFFFF;
	s2 =	simm.s32 @!p0 $0x1C01  }
0xd9: {  	[timem:s3], [sflag:s2] =	dma.local @!p0 [hbm:s0], s1  }
0xda: {  	s0 =	simm.s32 @!p0 $0x1  }
0xdb: {  	_ =	swait.ge @!p0 [sflag:s0], s1  }
0xdc: {  	s1 =	ssub.s32 @!p0 $0x0, s1;
	[sflag:s0] =	ssyncset.done @!p0 $0x0  }
0xdd: {  	[sflag:s0] =	ssyncadd.s32 @!p0 s1  }
0xde: {  	[bflag:$0x3] =	sbarrier.arrive $0xFFFF  }
0xdf: {  	_ =	shalt  }

</sc_bundles>
